<compile_context>
chip_gen: v7x
topology: tpu7x:2x2x1
jax: 0.10.2.dev20260603
libtpu: 0.0.44.dev20260713+nightly
codegen_flags: <defaults>
</compile_context>

<pallas_src>
import functools

import jax
import jax.numpy as jnp
from jax import lax
from jax.experimental import pallas as pl
from jax.experimental.pallas import tpu as pltpu
from jax.experimental.pallas import tpu_sc as plsc

_L = 200
_D = 64
_C = 64
_LANES = 16
_LP = 208
_NCHUNK = _LP // _LANES
_RP_W = 2 * _L + _LANES

_NC = 2
_NS = 16
_NW = _NC * _NS


def _sc_body(rows_per_w, x_hbm, slen_hbm, fp_hbm, rp_hbm, out_hbm,
             slen_v, fp_v, rp_v, buf_v, xsem, esem):
    cid = lax.axis_index("c")
    sid = lax.axis_index("s")
    wid = sid * _NC + cid
    base = wid * rows_per_w

    xcopy = pltpu.async_copy(
        x_hbm.at[pl.ds(base, rows_per_w)],
        out_hbm.at[pl.ds(base, rows_per_w), pl.ds(0, _C), :],
        xsem)

    pltpu.sync_copy(slen_hbm.at[pl.ds(base, rows_per_w)],
                    slen_v.at[pl.ds(0, rows_per_w)])
    pltpu.sync_copy(fp_hbm, fp_v)
    pltpu.sync_copy(rp_hbm, rp_v)

    lanes = lax.iota(jnp.int32, 16)

    def emb_copy(p, b, sem_slot):
        return pltpu.make_async_copy(
            buf_v.at[p, :, pl.ds(0, _L)],
            out_hbm.at[b, pl.ds(_C, 2 * _D), :],
            esem.at[sem_slot])

    def row_body(i, carry):
        b = base + i
        p = lax.rem(i, 2)
        s = slen_v[pl.ds(i, _LANES)][0]
        start = _L - s

        @pl.when(i >= 2)
        def _():
            emb_copy(p, b, p).wait()

        def d_body(d, carry2):
            for c in range(_NCHUNK):
                cb = c * _LANES
                col = lanes + cb
                fv = fp_v[d, pl.ds(cb, _LANES)]
                fv = jnp.where(col < s, fv, 0.0)
                buf_v[p, d, pl.ds(cb, _LANES)] = fv
                rv = rp_v[d, pl.ds(start + cb, _LANES)]
                buf_v[p, _D + d, pl.ds(cb, _LANES)] = rv
            return carry2

        lax.fori_loop(0, _D, d_body, 0)
        emb_copy(p, b, p).start()
        return carry

    lax.fori_loop(0, rows_per_w, row_body, 0)
    emb_copy(0, base, 0).wait()
    emb_copy(1, base, 1).wait()
    xcopy.wait()


def kernel(x, seq_len, W):
    B, C, L = x.shape
    assert (C, L) == (_C, _L) and W.shape == (_L + 1, _D)
    assert B % _NW == 0
    rows_per_w = B // _NW

    F = W[1:_L + 1, :].T.astype(jnp.float32)
    Fp = jnp.pad(F, ((0, 0), (0, _LP - _L)))
    Rp = jnp.pad(F[:, ::-1], ((0, 0), (0, _RP_W - _L)))

    mesh = plsc.VectorSubcoreMesh(core_axis_name="c", subcore_axis_name="s",
                                  num_cores=_NC, num_subcores=_NS)
    run = pl.kernel(
        functools.partial(_sc_body, rows_per_w),
        out_type=jax.ShapeDtypeStruct((B, _C + 2 * _D, _L), jnp.float32),
        mesh=mesh,
        compiler_params=pltpu.CompilerParams(use_tc_tiling_on_sc=False),
        scratch_types=[
            pltpu.VMEM((rows_per_w + _LANES,), jnp.int32),
            pltpu.VMEM((_D, _LP), jnp.float32),
            pltpu.VMEM((_D, _RP_W), jnp.float32),
            pltpu.VMEM((2, 2 * _D, _LP), jnp.float32),
            pltpu.SemaphoreType.DMA,
            pltpu.SemaphoreType.DMA((2,)),
        ],
    )
    return run(x, seq_len.astype(jnp.int32), Fp, Rp)

# --- scband reference (transcript-rebuilt; emitter-appended) ---
"""Pipeline reference for scband-position-embedding-46308337386098 (READ-ONLY COPY).

The authoritative reference and input builder live on the scoring server;
editing this copy changes nothing except your own understanding.
"""

import jax, jax.numpy as jnp
import numpy as np

NUM_EMB = 200
EMB_DIM = 64
B = 4096
C = 64
L = 200


def setup_inputs(seed: int = 0) -> dict:
    key = jax.random.key(seed)
    k1, k2, k3 = jax.random.split(key, 3)
    x = jax.random.normal(k1, (B, C, L), dtype=jnp.float32)
    seq_len = jax.random.randint(k2, (B,), 0, L, dtype=jnp.int32)
    # Embedding table with padding_idx=0 (row 0 zeroed), shape [num_embeddings+1, embedding_dim]
    W = jax.random.normal(k3, (NUM_EMB + 1, EMB_DIM), dtype=jnp.float32)
    W = W.at[0].set(0.0)
    return {"x": x, "seq_len": seq_len, "W": W}


def reference(x, seq_len, W):
    # embed_type == 'Random' branch of PositionEmbedding.forward
    b, c, len_q = x.shape
    idx = jnp.arange(1, len_q + 1, dtype=seq_len.dtype)[None, :]          # [1, L] -> broadcast [B, L]
    len_expanded = seq_len[:, None]                                        # [B, 1] -> broadcast [B, L]
    mask = idx <= len_expanded                                             # [B, L]
    pos_idx = jnp.where(mask, idx, 0)                                      # masked positions -> padding idx 0
    inv_idx = jnp.where(mask, len_expanded - idx + 1, 0)                   # reversed positions
    fwd_emb = jnp.take(W, pos_idx, axis=0)                                 # [B, L, D] gather
    bwd_emb = jnp.take(W, inv_idx, axis=0)                                 # [B, L, D] gather
    embeddings = jnp.transpose(jnp.concatenate([fwd_emb, bwd_emb], axis=2), (0, 2, 1))  # [B, 2D, L]
    return jnp.concatenate([x, embeddings], axis=1)                        # [B, C+2D, L]

if __name__ == "__main__":
    import jax
    _d = setup_inputs()
    print(jax.jit(kernel)(*tuple(_d.values())))

</pallas_src>

<mosaic_0001>
#map = affine_map<(d0, d1) -> (0, 0, 0)>
#map1 = affine_map<(d0, d1) -> (0)>
#map2 = affine_map<(d0, d1) -> (0, 0)>
module attributes {stable_mosaic.version = 14 : i64} {
  func.func @_sc_body(%arg0: i32, %arg1: i32, %arg2: memref<4096x64x200xf32, #tpu.memory_space<hbm>>, %arg3: memref<4096xi32, #tpu.memory_space<hbm>>, %arg4: memref<64x208xf32, #tpu.memory_space<hbm>>, %arg5: memref<64x416xf32, #tpu.memory_space<hbm>>, %arg6: memref<4096x192x200xf32, #tpu.memory_space<hbm>>, %arg7: memref<144xi32, #tpu.memory_space<vmem>>, %arg8: memref<64x208xf32, #tpu.memory_space<vmem>>, %arg9: memref<64x416xf32, #tpu.memory_space<vmem>>, %arg10: memref<2x128x208xf32, #tpu.memory_space<vmem>>, %arg11: memref<!tpu.dma_semaphore, #tpu.memory_space<semaphore_mem>>, %arg12: memref<2x!tpu.dma_semaphore, #tpu.memory_space<semaphore_mem>>) attributes {dimension_semantics = [#tpu.dimension_semantics<core_parallel>, #tpu.dimension_semantics<subcore_parallel>], iteration_bounds = array<i64: 2, 16>, scalar_prefetch = 0 : i64, scratch_operands = 6 : i64, tpu.core_type = #tpu.core_type<sc_vector_subcore>, window_params = [{transform_indices = #map}, {transform_indices = #map1}, {transform_indices = #map2}, {transform_indices = #map2}, {transform_indices = #map}]} {
    %mul3A = arith.constant 2 : i32
    %mul3A_0 = arith.muli %arg1, %mul3A : i32
    %add3A = arith.addi %mul3A_0, %arg0 : i32
    %mul3A_1 = arith.constant 128 : i32
    %mul3A_2 = arith.muli %add3A, %mul3A_1 : i32
    %dma_start3A = arith.constant 0 : i32
    %dma_start3A_3 = arith.constant 0 : i32
    %dma_start3A_4 = tpu.memref_slice %arg6[%mul3A_2, %dma_start3A, %dma_start3A_3] : memref<4096x192x200xf32, #tpu.memory_space<hbm>> -> memref<128x64x200xf32, #tpu.memory_space<hbm>>
    %dma_start3A_5 = arith.constant 0 : i32
    %dma_start3A_6 = arith.constant 0 : i32
    %dma_start3A_7 = tpu.memref_slice %arg2[%mul3A_2, %dma_start3A_5, %dma_start3A_6] : memref<4096x64x200xf32, #tpu.memory_space<hbm>> -> memref<128x64x200xf32, #tpu.memory_space<hbm>>
    tpu.enqueue_dma source(%dma_start3A_7 : memref<128x64x200xf32, #tpu.memory_space<hbm>>) target(%dma_start3A_4 : memref<128x64x200xf32, #tpu.memory_space<hbm>>) target_semaphore(%arg11 : memref<!tpu.dma_semaphore, #tpu.memory_space<semaphore_mem>>)
    "tpu.region"() ({
      %run_scoped3A = tpu.sem_alloc : memref<!tpu.dma_semaphore, #tpu.memory_space<semaphore_mem>>
      %dma_start3A_58 = arith.constant 0 : i32
      %dma_start3A_59 = tpu.memref_slice %arg7[%dma_start3A_58] : memref<144xi32, #tpu.memory_space<vmem>> -> memref<128xi32, #tpu.memory_space<vmem>>
      %dma_start3A_60 = tpu.memref_slice %arg3[%mul3A_2] : memref<4096xi32, #tpu.memory_space<hbm>> -> memref<128xi32, #tpu.memory_space<hbm>>
      %dma_start3A_61 = arith.constant 0 : i32
      %dma_start3A_62 = tpu.memref_slice %arg7[%dma_start3A_61] : memref<144xi32, #tpu.memory_space<vmem>> -> memref<128xi32, #tpu.memory_space<vmem>>
      %dma_start3A_63 = tpu.memref_slice %arg3[%mul3A_2] : memref<4096xi32, #tpu.memory_space<hbm>> -> memref<128xi32, #tpu.memory_space<hbm>>
      tpu.enqueue_dma source(%dma_start3A_63 : memref<128xi32, #tpu.memory_space<hbm>>) target(%dma_start3A_62 : memref<128xi32, #tpu.memory_space<vmem>>) target_semaphore(%run_scoped3A : memref<!tpu.dma_semaphore, #tpu.memory_space<semaphore_mem>>)
      %dma_wait3A_64 = arith.constant 0 : i32
      %dma_wait3A_65 = tpu.memref_slice %arg7[%dma_wait3A_64] : memref<144xi32, #tpu.memory_space<vmem>> -> memref<128xi32, #tpu.memory_space<vmem>>
      %dma_wait3A_66 = tpu.memref_slice %arg3[%mul3A_2] : memref<4096xi32, #tpu.memory_space<hbm>> -> memref<128xi32, #tpu.memory_space<hbm>>
      %dma_wait3A_67 = arith.constant 0 : i32
      %dma_wait3A_68 = tpu.memref_slice %arg7[%dma_wait3A_67] : memref<144xi32, #tpu.memory_space<vmem>> -> memref<128xi32, #tpu.memory_space<vmem>>
      %dma_wait3A_69 = tpu.memref_slice %arg3[%mul3A_2] : memref<4096xi32, #tpu.memory_space<hbm>> -> memref<128xi32, #tpu.memory_space<hbm>>
      tpu.wait_dma2 semaphore(%run_scoped3A : memref<!tpu.dma_semaphore, #tpu.memory_space<semaphore_mem>>) src(%dma_wait3A_69 : memref<128xi32, #tpu.memory_space<hbm>>) dst(%dma_wait3A_68 : memref<128xi32, #tpu.memory_space<vmem>>)
      tpu.yield
    }) : () -> ()
    "tpu.region"() ({
      %run_scoped3A = tpu.sem_alloc : memref<!tpu.dma_semaphore, #tpu.memory_space<semaphore_mem>>
      tpu.enqueue_dma source(%arg4 : memref<64x208xf32, #tpu.memory_space<hbm>>) target(%arg8 : memref<64x208xf32, #tpu.memory_space<vmem>>) target_semaphore(%run_scoped3A : memref<!tpu.dma_semaphore, #tpu.memory_space<semaphore_mem>>)
      tpu.wait_dma2 semaphore(%run_scoped3A : memref<!tpu.dma_semaphore, #tpu.memory_space<semaphore_mem>>) src(%arg4 : memref<64x208xf32, #tpu.memory_space<hbm>>) dst(%arg8 : memref<64x208xf32, #tpu.memory_space<vmem>>)
      tpu.yield
    }) : () -> ()
    "tpu.region"() ({
      %run_scoped3A = tpu.sem_alloc : memref<!tpu.dma_semaphore, #tpu.memory_space<semaphore_mem>>
      tpu.enqueue_dma source(%arg5 : memref<64x416xf32, #tpu.memory_space<hbm>>) target(%arg9 : memref<64x416xf32, #tpu.memory_space<vmem>>) target_semaphore(%run_scoped3A : memref<!tpu.dma_semaphore, #tpu.memory_space<semaphore_mem>>)
      tpu.wait_dma2 semaphore(%run_scoped3A : memref<!tpu.dma_semaphore, #tpu.memory_space<semaphore_mem>>) src(%arg5 : memref<64x416xf32, #tpu.memory_space<hbm>>) dst(%arg9 : memref<64x416xf32, #tpu.memory_space<vmem>>)
      tpu.yield
    }) : () -> ()
    %iota3A = tpu.iota {dimensions = array<i32: 0>} : vector<16xi32>
    %scan3A = arith.constant 0 : i32
    %scan3A_8 = arith.constant 0 : i32
    %scan3A_9 = arith.constant 128 : i32
    %scan3A_10 = arith.addi %scan3A_8, %scan3A_9 : i32
    %scan3A_11 = arith.constant 1 : i32
    scf.for %scan3A_58 = %scan3A_8 to %scan3A_10 step %scan3A_11  : i32 {
      %add3A_59 = arith.addi %mul3A_2, %scan3A_58 : i32
      %rem3A = arith.constant 2 : i32
      %rem3A_60 = arith.remsi %scan3A_58, %rem3A : i32
      %get3A = arith.index_cast %scan3A_58 : i32 to index
      %get3A_61 = tpu.vector_load %arg7[%get3A] {strides = array<i32>} : memref<144xi32, #tpu.memory_space<vmem>>, vector<16xi32>,
      %get3A_62 = vector.shape_cast %get3A_61 : vector<16xi32> to vector<16xi32>
      %slice3A = vector.extract_strided_slice %get3A_62 {offsets = [0], sizes = [1], strides = [1]} : vector<16xi32> to vector<1xi32>
      %squeeze3A = vector.extract %slice3A[0] : i32 from vector<1xi32>
      %sub3A = arith.constant 200 : i32
      %sub3A_63 = arith.subi %sub3A, %squeeze3A : i32
      %ge3A = arith.constant 2 : i32
      %ge3A_64 = arith.cmpi sge, %scan3A_58, %ge3A : i32
      %convert_element_type3A = arith.extui %ge3A_64 : i1 to i32
      %cond3A = arith.constant 0 : i32
      %cond3A_65 = arith.cmpi ne, %convert_element_type3A, %cond3A : i32
      scf.if %cond3A_65 {
        %dma_wait3A_90 = arith.constant 0 : i32
        %dma_wait3A_91 = arith.constant 0 : i32
        %dma_wait3A_92 = tpu.memref_slice %arg10[%rem3A_60, %dma_wait3A_90, %dma_wait3A_91] : memref<2x128x208xf32, #tpu.memory_space<vmem>> -> memref<1x128x200xf32, #tpu.memory_space<vmem>>
        %dma_wait3A_93 = tpu.memref_squeeze %dma_wait3A_92 : memref<1x128x200xf32, #tpu.memory_space<vmem>> -> memref<128x200xf32, #tpu.memory_space<vmem>>
        %dma_wait3A_94 = arith.constant 64 : i32
        %dma_wait3A_95 = arith.constant 0 : i32
        %dma_wait3A_96 = tpu.memref_slice %arg6[%add3A_59, %dma_wait3A_94, %dma_wait3A_95] : memref<4096x192x200xf32, #tpu.memory_space<hbm>> -> memref<1x128x200xf32, #tpu.memory_space<hbm>>
        %dma_wait3A_97 = tpu.memref_squeeze %dma_wait3A_96 : memref<1x128x200xf32, #tpu.memory_space<hbm>> -> memref<128x200xf32, #tpu.memory_space<hbm>>
        %dma_wait3A_98 = tpu.memref_slice %arg12[%rem3A_60] : memref<2x!tpu.dma_semaphore, #tpu.memory_space<semaphore_mem>> -> memref<1x!tpu.dma_semaphore, #tpu.memory_space<semaphore_mem>>
        %dma_wait3A_99 = tpu.memref_squeeze %dma_wait3A_98 : memref<1x!tpu.dma_semaphore, #tpu.memory_space<semaphore_mem>> -> memref<!tpu.dma_semaphore, #tpu.memory_space<semaphore_mem>>
        %dma_wait3A_100 = arith.constant 64 : i32
        %dma_wait3A_101 = arith.constant 0 : i32
        %dma_wait3A_102 = tpu.memref_slice %arg6[%add3A_59, %dma_wait3A_100, %dma_wait3A_101] : memref<4096x192x200xf32, #tpu.memory_space<hbm>> -> memref<1x128x200xf32, #tpu.memory_space<hbm>>
        %dma_wait3A_103 = tpu.memref_squeeze %dma_wait3A_102 : memref<1x128x200xf32, #tpu.memory_space<hbm>> -> memref<128x200xf32, #tpu.memory_space<hbm>>
        %dma_wait3A_104 = arith.constant 0 : i32
        %dma_wait3A_105 = arith.constant 0 : i32
        %dma_wait3A_106 = tpu.memref_slice %arg10[%rem3A_60, %dma_wait3A_104, %dma_wait3A_105] : memref<2x128x208xf32, #tpu.memory_space<vmem>> -> memref<1x128x200xf32, #tpu.memory_space<vmem>>
        %dma_wait3A_107 = tpu.memref_squeeze %dma_wait3A_106 : memref<1x128x200xf32, #tpu.memory_space<vmem>> -> memref<128x200xf32, #tpu.memory_space<vmem>>
        tpu.wait_dma2 semaphore(%dma_wait3A_99 : memref<!tpu.dma_semaphore, #tpu.memory_space<semaphore_mem>>) src(%dma_wait3A_107 : memref<128x200xf32, #tpu.memory_space<vmem>>) dst(%dma_wait3A_103 : memref<128x200xf32, #tpu.memory_space<hbm>>)
      } else {
      }
      %scan3A_66 = arith.constant 0 : i32
      %scan3A_67 = arith.constant 0 : i32
      %scan3A_68 = arith.constant 64 : i32
      %scan3A_69 = arith.addi %scan3A_67, %scan3A_68 : i32
      %scan3A_70 = arith.constant 1 : i32
      scf.for %scan3A_90 = %scan3A_67 to %scan3A_69 step %scan3A_70  : i32 {
        %add3A_91 = arith.constant 0 : i32
        %add3A_92 = vector.broadcast %add3A_91 : i32 to vector<16xi32>
        %add3A_93 = arith.addi %iota3A, %add3A_92 : vector<16xi32>
        %get3A_94 = arith.index_cast %scan3A_90 : i32 to index
        %get3A_95 = arith.constant 0 : index
        %get3A_96 = tpu.vector_load %arg8[%get3A_94, %get3A_95] {strides = array<i32>} : memref<64x208xf32, #tpu.memory_space<vmem>>, vector<1x16xf32>,
        %get3A_97 = vector.shape_cast %get3A_96 : vector<1x16xf32> to vector<16xf32>
        %lt3A = vector.broadcast %squeeze3A : i32 to vector<16xi32>
        %lt3A_98 = arith.cmpi slt, %add3A_93, %lt3A : vector<16xi32>
        %jit3A = arith.constant 0.000000e+00 : f32
        %broadcast_in_dim3A = vector.broadcast %jit3A : f32 to vector<16xf32>
        %select_n3A = arith.select %lt3A_98, %get3A_97, %broadcast_in_dim3A : vector<16xi1>, vector<16xf32>
        %swap3A = arith.index_cast %rem3A_60 : i32 to index
        %swap3A_99 = arith.index_cast %scan3A_90 : i32 to index
        %swap3A_100 = arith.constant 0 : index
        %swap3A_101 = tpu.vector_load %arg10[%swap3A, %swap3A_99, %swap3A_100] {strides = array<i32>} : memref<2x128x208xf32, #tpu.memory_space<vmem>>, vector<1x1x16xf32>,
        %swap3A_102 = vector.shape_cast %swap3A_101 : vector<1x1x16xf32> to vector<16xf32>
        %swap3A_103 = vector.shape_cast %select_n3A : vector<16xf32> to vector<1x1x16xf32>
        tpu.vector_store %arg10[%swap3A, %swap3A_99, %swap3A_100], %swap3A_103 {strides = array<i32>} : memref<2x128x208xf32, #tpu.memory_space<vmem>>, vector<1x1x16xf32>,
        %add3A_104 = arith.constant 0 : i32
        %add3A_105 = arith.addi %sub3A_63, %add3A_104 : i32
        %get3A_106 = arith.index_cast %scan3A_90 : i32 to index
        %get3A_107 = arith.index_cast %add3A_105 : i32 to index
        %get3A_108 = tpu.vector_load %arg9[%get3A_106, %get3A_107] {strides = array<i32>} : memref<64x416xf32, #tpu.memory_space<vmem>>, vector<1x16xf32>,
        %get3A_109 = vector.shape_cast %get3A_108 : vector<1x16xf32> to vector<16xf32>
        %add3A_110 = arith.constant 64 : i32
        %add3A_111 = arith.addi %add3A_110, %scan3A_90 : i32
        %swap3A_112 = arith.index_cast %rem3A_60 : i32 to index
        %swap3A_113 = arith.index_cast %add3A_111 : i32 to index
        %swap3A_114 = arith.constant 0 : index
        %swap3A_115 = tpu.vector_load %arg10[%swap3A_112, %swap3A_113, %swap3A_114] {strides = array<i32>} : memref<2x128x208xf32, #tpu.memory_space<vmem>>, vector<1x1x16xf32>,
        %swap3A_116 = vector.shape_cast %swap3A_115 : vector<1x1x16xf32> to vector<16xf32>
        %swap3A_117 = vector.shape_cast %get3A_109 : vector<16xf32> to vector<1x1x16xf32>
        tpu.vector_store %arg10[%swap3A_112, %swap3A_113, %swap3A_114], %swap3A_117 {strides = array<i32>} : memref<2x128x208xf32, #tpu.memory_space<vmem>>, vector<1x1x16xf32>,
        %add3A_118 = arith.constant 16 : i32
        %add3A_119 = vector.broadcast %add3A_118 : i32 to vector<16xi32>
        %add3A_120 = arith.addi %iota3A, %add3A_119 : vector<16xi32>
        %get3A_121 = arith.index_cast %scan3A_90 : i32 to index
        %get3A_122 = arith.constant 16 : index
        %get3A_123 = tpu.vector_load %arg8[%get3A_121, %get3A_122] {strides = array<i32>} : memref<64x208xf32, #tpu.memory_space<vmem>>, vector<1x16xf32>,
        %get3A_124 = vector.shape_cast %get3A_123 : vector<1x16xf32> to vector<16xf32>
        %lt3A_125 = vector.broadcast %squeeze3A : i32 to vector<16xi32>
        %lt3A_126 = arith.cmpi slt, %add3A_120, %lt3A_125 : vector<16xi32>
        %jit3A_127 = arith.constant 0.000000e+00 : f32
        %broadcast_in_dim3A_128 = vector.broadcast %jit3A_127 : f32 to vector<16xf32>
        %select_n3A_129 = arith.select %lt3A_126, %get3A_124, %broadcast_in_dim3A_128 : vector<16xi1>, vector<16xf32>
        %swap3A_130 = arith.index_cast %rem3A_60 : i32 to index
        %swap3A_131 = arith.index_cast %scan3A_90 : i32 to index
        %swap3A_132 = arith.constant 16 : index
        %swap3A_133 = tpu.vector_load %arg10[%swap3A_130, %swap3A_131, %swap3A_132] {strides = array<i32>} : memref<2x128x208xf32, #tpu.memory_space<vmem>>, vector<1x1x16xf32>,
        %swap3A_134 = vector.shape_cast %swap3A_133 : vector<1x1x16xf32> to vector<16xf32>
        %swap3A_135 = vector.shape_cast %select_n3A_129 : vector<16xf32> to vector<1x1x16xf32>
        tpu.vector_store %arg10[%swap3A_130, %swap3A_131, %swap3A_132], %swap3A_135 {strides = array<i32>} : memref<2x128x208xf32, #tpu.memory_space<vmem>>, vector<1x1x16xf32>,
        %add3A_136 = arith.constant 16 : i32
        %add3A_137 = arith.addi %sub3A_63, %add3A_136 : i32
        %get3A_138 = arith.index_cast %scan3A_90 : i32 to index
        %get3A_139 = arith.index_cast %add3A_137 : i32 to index
        %get3A_140 = tpu.vector_load %arg9[%get3A_138, %get3A_139] {strides = array<i32>} : memref<64x416xf32, #tpu.memory_space<vmem>>, vector<1x16xf32>,
        %get3A_141 = vector.shape_cast %get3A_140 : vector<1x16xf32> to vector<16xf32>
        %add3A_142 = arith.constant 64 : i32
        %add3A_143 = arith.addi %add3A_142, %scan3A_90 : i32
        %swap3A_144 = arith.index_cast %rem3A_60 : i32 to index
        %swap3A_145 = arith.index_cast %add3A_143 : i32 to index
        %swap3A_146 = arith.constant 16 : index
        %swap3A_147 = tpu.vector_load %arg10[%swap3A_144, %swap3A_145, %swap3A_146] {strides = array<i32>} : memref<2x128x208xf32, #tpu.memory_space<vmem>>, vector<1x1x16xf32>,
        %swap3A_148 = vector.shape_cast %swap3A_147 : vector<1x1x16xf32> to vector<16xf32>
        %swap3A_149 = vector.shape_cast %get3A_141 : vector<16xf32> to vector<1x1x16xf32>
        tpu.vector_store %arg10[%swap3A_144, %swap3A_145, %swap3A_146], %swap3A_149 {strides = array<i32>} : memref<2x128x208xf32, #tpu.memory_space<vmem>>, vector<1x1x16xf32>,
        %add3A_150 = arith.constant 32 : i32
        %add3A_151 = vector.broadcast %add3A_150 : i32 to vector<16xi32>
        %add3A_152 = arith.addi %iota3A, %add3A_151 : vector<16xi32>
        %get3A_153 = arith.index_cast %scan3A_90 : i32 to index
        %get3A_154 = arith.constant 32 : index
        %get3A_155 = tpu.vector_load %arg8[%get3A_153, %get3A_154] {strides = array<i32>} : memref<64x208xf32, #tpu.memory_space<vmem>>, vector<1x16xf32>,
        %get3A_156 = vector.shape_cast %get3A_155 : vector<1x16xf32> to vector<16xf32>
        %lt3A_157 = vector.broadcast %squeeze3A : i32 to vector<16xi32>
        %lt3A_158 = arith.cmpi slt, %add3A_152, %lt3A_157 : vector<16xi32>
        %jit3A_159 = arith.constant 0.000000e+00 : f32
        %broadcast_in_dim3A_160 = vector.broadcast %jit3A_159 : f32 to vector<16xf32>
        %select_n3A_161 = arith.select %lt3A_158, %get3A_156, %broadcast_in_dim3A_160 : vector<16xi1>, vector<16xf32>
        %swap3A_162 = arith.index_cast %rem3A_60 : i32 to index
        %swap3A_163 = arith.index_cast %scan3A_90 : i32 to index
        %swap3A_164 = arith.constant 32 : index
        %swap3A_165 = tpu.vector_load %arg10[%swap3A_162, %swap3A_163, %swap3A_164] {strides = array<i32>} : memref<2x128x208xf32, #tpu.memory_space<vmem>>, vector<1x1x16xf32>,
        %swap3A_166 = vector.shape_cast %swap3A_165 : vector<1x1x16xf32> to vector<16xf32>
        %swap3A_167 = vector.shape_cast %select_n3A_161 : vector<16xf32> to vector<1x1x16xf32>
        tpu.vector_store %arg10[%swap3A_162, %swap3A_163, %swap3A_164], %swap3A_167 {strides = array<i32>} : memref<2x128x208xf32, #tpu.memory_space<vmem>>, vector<1x1x16xf32>,
        %add3A_168 = arith.constant 32 : i32
        %add3A_169 = arith.addi %sub3A_63, %add3A_168 : i32
        %get3A_170 = arith.index_cast %scan3A_90 : i32 to index
        %get3A_171 = arith.index_cast %add3A_169 : i32 to index
        %get3A_172 = tpu.vector_load %arg9[%get3A_170, %get3A_171] {strides = array<i32>} : memref<64x416xf32, #tpu.memory_space<vmem>>, vector<1x16xf32>,
        %get3A_173 = vector.shape_cast %get3A_172 : vector<1x16xf32> to vector<16xf32>
        %add3A_174 = arith.constant 64 : i32
        %add3A_175 = arith.addi %add3A_174, %scan3A_90 : i32
        %swap3A_176 = arith.index_cast %rem3A_60 : i32 to index
        %swap3A_177 = arith.index_cast %add3A_175 : i32 to index
        %swap3A_178 = arith.constant 32 : index
        %swap3A_179 = tpu.vector_load %arg10[%swap3A_176, %swap3A_177, %swap3A_178] {strides = array<i32>} : memref<2x128x208xf32, #tpu.memory_space<vmem>>, vector<1x1x16xf32>,
        %swap3A_180 = vector.shape_cast %swap3A_179 : vector<1x1x16xf32> to vector<16xf32>
        %swap3A_181 = vector.shape_cast %get3A_173 : vector<16xf32> to vector<1x1x16xf32>
        tpu.vector_store %arg10[%swap3A_176, %swap3A_177, %swap3A_178], %swap3A_181 {strides = array<i32>} : memref<2x128x208xf32, #tpu.memory_space<vmem>>, vector<1x1x16xf32>,
        %add3A_182 = arith.constant 48 : i32
        %add3A_183 = vector.broadcast %add3A_182 : i32 to vector<16xi32>
        %add3A_184 = arith.addi %iota3A, %add3A_183 : vector<16xi32>
        %get3A_185 = arith.index_cast %scan3A_90 : i32 to index
        %get3A_186 = arith.constant 48 : index
        %get3A_187 = tpu.vector_load %arg8[%get3A_185, %get3A_186] {strides = array<i32>} : memref<64x208xf32, #tpu.memory_space<vmem>>, vector<1x16xf32>,
        %get3A_188 = vector.shape_cast %get3A_187 : vector<1x16xf32> to vector<16xf32>
        %lt3A_189 = vector.broadcast %squeeze3A : i32 to vector<16xi32>
        %lt3A_190 = arith.cmpi slt, %add3A_184, %lt3A_189 : vector<16xi32>
        %jit3A_191 = arith.constant 0.000000e+00 : f32
        %broadcast_in_dim3A_192 = vector.broadcast %jit3A_191 : f32 to vector<16xf32>
        %select_n3A_193 = arith.select %lt3A_190, %get3A_188, %broadcast_in_dim3A_192 : vector<16xi1>, vector<16xf32>
        %swap3A_194 = arith.index_cast %rem3A_60 : i32 to index
        %swap3A_195 = arith.index_cast %scan3A_90 : i32 to index
        %swap3A_196 = arith.constant 48 : index
        %swap3A_197 = tpu.vector_load %arg10[%swap3A_194, %swap3A_195, %swap3A_196] {strides = array<i32>} : memref<2x128x208xf32, #tpu.memory_space<vmem>>, vector<1x1x16xf32>,
        %swap3A_198 = vector.shape_cast %swap3A_197 : vector<1x1x16xf32> to vector<16xf32>
        %swap3A_199 = vector.shape_cast %select_n3A_193 : vector<16xf32> to vector<1x1x16xf32>
        tpu.vector_store %arg10[%swap3A_194, %swap3A_195, %swap3A_196], %swap3A_199 {strides = array<i32>} : memref<2x128x208xf32, #tpu.memory_space<vmem>>, vector<1x1x16xf32>,
        %add3A_200 = arith.constant 48 : i32
        %add3A_201 = arith.addi %sub3A_63, %add3A_200 : i32
        %get3A_202 = arith.index_cast %scan3A_90 : i32 to index
        %get3A_203 = arith.index_cast %add3A_201 : i32 to index
        %get3A_204 = tpu.vector_load %arg9[%get3A_202, %get3A_203] {strides = array<i32>} : memref<64x416xf32, #tpu.memory_space<vmem>>, vector<1x16xf32>,
        %get3A_205 = vector.shape_cast %get3A_204 : vector<1x16xf32> to vector<16xf32>
        %add3A_206 = arith.constant 64 : i32
        %add3A_207 = arith.addi %add3A_206, %scan3A_90 : i32
        %swap3A_208 = arith.index_cast %rem3A_60 : i32 to index
        %swap3A_209 = arith.index_cast %add3A_207 : i32 to index
        %swap3A_210 = arith.constant 48 : index
        %swap3A_211 = tpu.vector_load %arg10[%swap3A_208, %swap3A_209, %swap3A_210] {strides = array<i32>} : memref<2x128x208xf32, #tpu.memory_space<vmem>>, vector<1x1x16xf32>,
        %swap3A_212 = vector.shape_cast %swap3A_211 : vector<1x1x16xf32> to vector<16xf32>
        %swap3A_213 = vector.shape_cast %get3A_205 : vector<16xf32> to vector<1x1x16xf32>
        tpu.vector_store %arg10[%swap3A_208, %swap3A_209, %swap3A_210], %swap3A_213 {strides = array<i32>} : memref<2x128x208xf32, #tpu.memory_space<vmem>>, vector<1x1x16xf32>,
        %add3A_214 = arith.constant 64 : i32
        %add3A_215 = vector.broadcast %add3A_214 : i32 to vector<16xi32>
        %add3A_216 = arith.addi %iota3A, %add3A_215 : vector<16xi32>
        %get3A_217 = arith.index_cast %scan3A_90 : i32 to index
        %get3A_218 = arith.constant 64 : index
        %get3A_219 = tpu.vector_load %arg8[%get3A_217, %get3A_218] {strides = array<i32>} : memref<64x208xf32, #tpu.memory_space<vmem>>, vector<1x16xf32>,
        %get3A_220 = vector.shape_cast %get3A_219 : vector<1x16xf32> to vector<16xf32>
        %lt3A_221 = vector.broadcast %squeeze3A : i32 to vector<16xi32>
        %lt3A_222 = arith.cmpi slt, %add3A_216, %lt3A_221 : vector<16xi32>
        %jit3A_223 = arith.constant 0.000000e+00 : f32
        %broadcast_in_dim3A_224 = vector.broadcast %jit3A_223 : f32 to vector<16xf32>
        %select_n3A_225 = arith.select %lt3A_222, %get3A_220, %broadcast_in_dim3A_224 : vector<16xi1>, vector<16xf32>
        %swap3A_226 = arith.index_cast %rem3A_60 : i32 to index
        %swap3A_227 = arith.index_cast %scan3A_90 : i32 to index
        %swap3A_228 = arith.constant 64 : index
        %swap3A_229 = tpu.vector_load %arg10[%swap3A_226, %swap3A_227, %swap3A_228] {strides = array<i32>} : memref<2x128x208xf32, #tpu.memory_space<vmem>>, vector<1x1x16xf32>,
        %swap3A_230 = vector.shape_cast %swap3A_229 : vector<1x1x16xf32> to vector<16xf32>
        %swap3A_231 = vector.shape_cast %select_n3A_225 : vector<16xf32> to vector<1x1x16xf32>
        tpu.vector_store %arg10[%swap3A_226, %swap3A_227, %swap3A_228], %swap3A_231 {strides = array<i32>} : memref<2x128x208xf32, #tpu.memory_space<vmem>>, vector<1x1x16xf32>,
        %add3A_232 = arith.constant 64 : i32
        %add3A_233 = arith.addi %sub3A_63, %add3A_232 : i32
        %get3A_234 = arith.index_cast %scan3A_90 : i32 to index
        %get3A_235 = arith.index_cast %add3A_233 : i32 to index
        %get3A_236 = tpu.vector_load %arg9[%get3A_234, %get3A_235] {strides = array<i32>} : memref<64x416xf32, #tpu.memory_space<vmem>>, vector<1x16xf32>,
        %get3A_237 = vector.shape_cast %get3A_236 : vector<1x16xf32> to vector<16xf32>
        %add3A_238 = arith.constant 64 : i32
        %add3A_239 = arith.addi %add3A_238, %scan3A_90 : i32
        %swap3A_240 = arith.index_cast %rem3A_60 : i32 to index
        %swap3A_241 = arith.index_cast %add3A_239 : i32 to index
        %swap3A_242 = arith.constant 64 : index
        %swap3A_243 = tpu.vector_load %arg10[%swap3A_240, %swap3A_241, %swap3A_242] {strides = array<i32>} : memref<2x128x208xf32, #tpu.memory_space<vmem>>, vector<1x1x16xf32>,
        %swap3A_244 = vector.shape_cast %swap3A_243 : vector<1x1x16xf32> to vector<16xf32>
        %swap3A_245 = vector.shape_cast %get3A_237 : vector<16xf32> to vector<1x1x16xf32>
        tpu.vector_store %arg10[%swap3A_240, %swap3A_241, %swap3A_242], %swap3A_245 {strides = array<i32>} : memref<2x128x208xf32, #tpu.memory_space<vmem>>, vector<1x1x16xf32>,
        %add3A_246 = arith.constant 80 : i32
        %add3A_247 = vector.broadcast %add3A_246 : i32 to vector<16xi32>
        %add3A_248 = arith.addi %iota3A, %add3A_247 : vector<16xi32>
        %get3A_249 = arith.index_cast %scan3A_90 : i32 to index
        %get3A_250 = arith.constant 80 : index
        %get3A_251 = tpu.vector_load %arg8[%get3A_249, %get3A_250] {strides = array<i32>} : memref<64x208xf32, #tpu.memory_space<vmem>>, vector<1x16xf32>,
        %get3A_252 = vector.shape_cast %get3A_251 : vector<1x16xf32> to vector<16xf32>
        %lt3A_253 = vector.broadcast %squeeze3A : i32 to vector<16xi32>
        %lt3A_254 = arith.cmpi slt, %add3A_248, %lt3A_253 : vector<16xi32>
        %jit3A_255 = arith.constant 0.000000e+00 : f32
        %broadcast_in_dim3A_256 = vector.broadcast %jit3A_255 : f32 to vector<16xf32>
        %select_n3A_257 = arith.select %lt3A_254, %get3A_252, %broadcast_in_dim3A_256 : vector<16xi1>, vector<16xf32>
        %swap3A_258 = arith.index_cast %rem3A_60 : i32 to index
        %swap3A_259 = arith.index_cast %scan3A_90 : i32 to index
        %swap3A_260 = arith.constant 80 : index
        %swap3A_261 = tpu.vector_load %arg10[%swap3A_258, %swap3A_259, %swap3A_260] {strides = array<i32>} : memref<2x128x208xf32, #tpu.memory_space<vmem>>, vector<1x1x16xf32>,
        %swap3A_262 = vector.shape_cast %swap3A_261 : vector<1x1x16xf32> to vector<16xf32>
        %swap3A_263 = vector.shape_cast %select_n3A_257 : vector<16xf32> to vector<1x1x16xf32>
        tpu.vector_store %arg10[%swap3A_258, %swap3A_259, %swap3A_260], %swap3A_263 {strides = array<i32>} : memref<2x128x208xf32, #tpu.memory_space<vmem>>, vector<1x1x16xf32>,
        %add3A_264 = arith.constant 80 : i32
        %add3A_265 = arith.addi %sub3A_63, %add3A_264 : i32
        %get3A_266 = arith.index_cast %scan3A_90 : i32 to index
        %get3A_267 = arith.index_cast %add3A_265 : i32 to index
        %get3A_268 = tpu.vector_load %arg9[%get3A_266, %get3A_267] {strides = array<i32>} : memref<64x416xf32, #tpu.memory_space<vmem>>, vector<1x16xf32>,
        %get3A_269 = vector.shape_cast %get3A_268 : vector<1x16xf32> to vector<16xf32>
        %add3A_270 = arith.constant 64 : i32
        %add3A_271 = arith.addi %add3A_270, %scan3A_90 : i32
        %swap3A_272 = arith.index_cast %rem3A_60 : i32 to index
        %swap3A_273 = arith.index_cast %add3A_271 : i32 to index
        %swap3A_274 = arith.constant 80 : index
        %swap3A_275 = tpu.vector_load %arg10[%swap3A_272, %swap3A_273, %swap3A_274] {strides = array<i32>} : memref<2x128x208xf32, #tpu.memory_space<vmem>>, vector<1x1x16xf32>,
        %swap3A_276 = vector.shape_cast %swap3A_275 : vector<1x1x16xf32> to vector<16xf32>
        %swap3A_277 = vector.shape_cast %get3A_269 : vector<16xf32> to vector<1x1x16xf32>
        tpu.vector_store %arg10[%swap3A_272, %swap3A_273, %swap3A_274], %swap3A_277 {strides = array<i32>} : memref<2x128x208xf32, #tpu.memory_space<vmem>>, vector<1x1x16xf32>,
        %add3A_278 = arith.constant 96 : i32
        %add3A_279 = vector.broadcast %add3A_278 : i32 to vector<16xi32>
        %add3A_280 = arith.addi %iota3A, %add3A_279 : vector<16xi32>
        %get3A_281 = arith.index_cast %scan3A_90 : i32 to index
        %get3A_282 = arith.constant 96 : index
        %get3A_283 = tpu.vector_load %arg8[%get3A_281, %get3A_282] {strides = array<i32>} : memref<64x208xf32, #tpu.memory_space<vmem>>, vector<1x16xf32>,
        %get3A_284 = vector.shape_cast %get3A_283 : vector<1x16xf32> to vector<16xf32>
        %lt3A_285 = vector.broadcast %squeeze3A : i32 to vector<16xi32>
        %lt3A_286 = arith.cmpi slt, %add3A_280, %lt3A_285 : vector<16xi32>
        %jit3A_287 = arith.constant 0.000000e+00 : f32
        %broadcast_in_dim3A_288 = vector.broadcast %jit3A_287 : f32 to vector<16xf32>
        %select_n3A_289 = arith.select %lt3A_286, %get3A_284, %broadcast_in_dim3A_288 : vector<16xi1>, vector<16xf32>
        %swap3A_290 = arith.index_cast %rem3A_60 : i32 to index
        %swap3A_291 = arith.index_cast %scan3A_90 : i32 to index
        %swap3A_292 = arith.constant 96 : index
        %swap3A_293 = tpu.vector_load %arg10[%swap3A_290, %swap3A_291, %swap3A_292] {strides = array<i32>} : memref<2x128x208xf32, #tpu.memory_space<vmem>>, vector<1x1x16xf32>,
        %swap3A_294 = vector.shape_cast %swap3A_293 : vector<1x1x16xf32> to vector<16xf32>
        %swap3A_295 = vector.shape_cast %select_n3A_289 : vector<16xf32> to vector<1x1x16xf32>
        tpu.vector_store %arg10[%swap3A_290, %swap3A_291, %swap3A_292], %swap3A_295 {strides = array<i32>} : memref<2x128x208xf32, #tpu.memory_space<vmem>>, vector<1x1x16xf32>,
        %add3A_296 = arith.constant 96 : i32
        %add3A_297 = arith.addi %sub3A_63, %add3A_296 : i32
        %get3A_298 = arith.index_cast %scan3A_90 : i32 to index
        %get3A_299 = arith.index_cast %add3A_297 : i32 to index
        %get3A_300 = tpu.vector_load %arg9[%get3A_298, %get3A_299] {strides = array<i32>} : memref<64x416xf32, #tpu.memory_space<vmem>>, vector<1x16xf32>,
        %get3A_301 = vector.shape_cast %get3A_300 : vector<1x16xf32> to vector<16xf32>
        %add3A_302 = arith.constant 64 : i32
        %add3A_303 = arith.addi %add3A_302, %scan3A_90 : i32
        %swap3A_304 = arith.index_cast %rem3A_60 : i32 to index
        %swap3A_305 = arith.index_cast %add3A_303 : i32 to index
        %swap3A_306 = arith.constant 96 : index
        %swap3A_307 = tpu.vector_load %arg10[%swap3A_304, %swap3A_305, %swap3A_306] {strides = array<i32>} : memref<2x128x208xf32, #tpu.memory_space<vmem>>, vector<1x1x16xf32>,
        %swap3A_308 = vector.shape_cast %swap3A_307 : vector<1x1x16xf32> to vector<16xf32>
        %swap3A_309 = vector.shape_cast %get3A_301 : vector<16xf32> to vector<1x1x16xf32>
        tpu.vector_store %arg10[%swap3A_304, %swap3A_305, %swap3A_306], %swap3A_309 {strides = array<i32>} : memref<2x128x208xf32, #tpu.memory_space<vmem>>, vector<1x1x16xf32>,
        %add3A_310 = arith.constant 112 : i32
        %add3A_311 = vector.broadcast %add3A_310 : i32 to vector<16xi32>
        %add3A_312 = arith.addi %iota3A, %add3A_311 : vector<16xi32>
        %get3A_313 = arith.index_cast %scan3A_90 : i32 to index
        %get3A_314 = arith.constant 112 : index
        %get3A_315 = tpu.vector_load %arg8[%get3A_313, %get3A_314] {strides = array<i32>} : memref<64x208xf32, #tpu.memory_space<vmem>>, vector<1x16xf32>,
        %get3A_316 = vector.shape_cast %get3A_315 : vector<1x16xf32> to vector<16xf32>
        %lt3A_317 = vector.broadcast %squeeze3A : i32 to vector<16xi32>
        %lt3A_318 = arith.cmpi slt, %add3A_312, %lt3A_317 : vector<16xi32>
        %jit3A_319 = arith.constant 0.000000e+00 : f32
        %broadcast_in_dim3A_320 = vector.broadcast %jit3A_319 : f32 to vector<16xf32>
        %select_n3A_321 = arith.select %lt3A_318, %get3A_316, %broadcast_in_dim3A_320 : vector<16xi1>, vector<16xf32>
        %swap3A_322 = arith.index_cast %rem3A_60 : i32 to index
        %swap3A_323 = arith.index_cast %scan3A_90 : i32 to index
        %swap3A_324 = arith.constant 112 : index
        %swap3A_325 = tpu.vector_load %arg10[%swap3A_322, %swap3A_323, %swap3A_324] {strides = array<i32>} : memref<2x128x208xf32, #tpu.memory_space<vmem>>, vector<1x1x16xf32>,
        %swap3A_326 = vector.shape_cast %swap3A_325 : vector<1x1x16xf32> to vector<16xf32>
        %swap3A_327 = vector.shape_cast %select_n3A_321 : vector<16xf32> to vector<1x1x16xf32>
        tpu.vector_store %arg10[%swap3A_322, %swap3A_323, %swap3A_324], %swap3A_327 {strides = array<i32>} : memref<2x128x208xf32, #tpu.memory_space<vmem>>, vector<1x1x16xf32>,
        %add3A_328 = arith.constant 112 : i32
        %add3A_329 = arith.addi %sub3A_63, %add3A_328 : i32
        %get3A_330 = arith.index_cast %scan3A_90 : i32 to index
        %get3A_331 = arith.index_cast %add3A_329 : i32 to index
        %get3A_332 = tpu.vector_load %arg9[%get3A_330, %get3A_331] {strides = array<i32>} : memref<64x416xf32, #tpu.memory_space<vmem>>, vector<1x16xf32>,
        %get3A_333 = vector.shape_cast %get3A_332 : vector<1x16xf32> to vector<16xf32>
        %add3A_334 = arith.constant 64 : i32
        %add3A_335 = arith.addi %add3A_334, %scan3A_90 : i32
        %swap3A_336 = arith.index_cast %rem3A_60 : i32 to index
        %swap3A_337 = arith.index_cast %add3A_335 : i32 to index
        %swap3A_338 = arith.constant 112 : index
        %swap3A_339 = tpu.vector_load %arg10[%swap3A_336, %swap3A_337, %swap3A_338] {strides = array<i32>} : memref<2x128x208xf32, #tpu.memory_space<vmem>>, vector<1x1x16xf32>,
        %swap3A_340 = vector.shape_cast %swap3A_339 : vector<1x1x16xf32> to vector<16xf32>
        %swap3A_341 = vector.shape_cast %get3A_333 : vector<16xf32> to vector<1x1x16xf32>
        tpu.vector_store %arg10[%swap3A_336, %swap3A_337, %swap3A_338], %swap3A_341 {strides = array<i32>} : memref<2x128x208xf32, #tpu.memory_space<vmem>>, vector<1x1x16xf32>,
        %add3A_342 = arith.constant 128 : i32
        %add3A_343 = vector.broadcast %add3A_342 : i32 to vector<16xi32>
        %add3A_344 = arith.addi %iota3A, %add3A_343 : vector<16xi32>
        %get3A_345 = arith.index_cast %scan3A_90 : i32 to index
        %get3A_346 = arith.constant 128 : index
        %get3A_347 = tpu.vector_load %arg8[%get3A_345, %get3A_346] {strides = array<i32>} : memref<64x208xf32, #tpu.memory_space<vmem>>, vector<1x16xf32>,
        %get3A_348 = vector.shape_cast %get3A_347 : vector<1x16xf32> to vector<16xf32>
        %lt3A_349 = vector.broadcast %squeeze3A : i32 to vector<16xi32>
        %lt3A_350 = arith.cmpi slt, %add3A_344, %lt3A_349 : vector<16xi32>
        %jit3A_351 = arith.constant 0.000000e+00 : f32
        %broadcast_in_dim3A_352 = vector.broadcast %jit3A_351 : f32 to vector<16xf32>
        %select_n3A_353 = arith.select %lt3A_350, %get3A_348, %broadcast_in_dim3A_352 : vector<16xi1>, vector<16xf32>
        %swap3A_354 = arith.index_cast %rem3A_60 : i32 to index
        %swap3A_355 = arith.index_cast %scan3A_90 : i32 to index
        %swap3A_356 = arith.constant 128 : index
        %swap3A_357 = tpu.vector_load %arg10[%swap3A_354, %swap3A_355, %swap3A_356] {strides = array<i32>} : memref<2x128x208xf32, #tpu.memory_space<vmem>>, vector<1x1x16xf32>,
        %swap3A_358 = vector.shape_cast %swap3A_357 : vector<1x1x16xf32> to vector<16xf32>
        %swap3A_359 = vector.shape_cast %select_n3A_353 : vector<16xf32> to vector<1x1x16xf32>
        tpu.vector_store %arg10[%swap3A_354, %swap3A_355, %swap3A_356], %swap3A_359 {strides = array<i32>} : memref<2x128x208xf32, #tpu.memory_space<vmem>>, vector<1x1x16xf32>,
        %add3A_360 = arith.constant 128 : i32
        %add3A_361 = arith.addi %sub3A_63, %add3A_360 : i32
        %get3A_362 = arith.index_cast %scan3A_90 : i32 to index
        %get3A_363 = arith.index_cast %add3A_361 : i32 to index
        %get3A_364 = tpu.vector_load %arg9[%get3A_362, %get3A_363] {strides = array<i32>} : memref<64x416xf32, #tpu.memory_space<vmem>>, vector<1x16xf32>,
        %get3A_365 = vector.shape_cast %get3A_364 : vector<1x16xf32> to vector<16xf32>
        %add3A_366 = arith.constant 64 : i32
        %add3A_367 = arith.addi %add3A_366, %scan3A_90 : i32
        %swap3A_368 = arith.index_cast %rem3A_60 : i32 to index
        %swap3A_369 = arith.index_cast %add3A_367 : i32 to index
        %swap3A_370 = arith.constant 128 : index
        %swap3A_371 = tpu.vector_load %arg10[%swap3A_368, %swap3A_369, %swap3A_370] {strides = array<i32>} : memref<2x128x208xf32, #tpu.memory_space<vmem>>, vector<1x1x16xf32>,
        %swap3A_372 = vector.shape_cast %swap3A_371 : vector<1x1x16xf32> to vector<16xf32>
        %swap3A_373 = vector.shape_cast %get3A_365 : vector<16xf32> to vector<1x1x16xf32>
        tpu.vector_store %arg10[%swap3A_368, %swap3A_369, %swap3A_370], %swap3A_373 {strides = array<i32>} : memref<2x128x208xf32, #tpu.memory_space<vmem>>, vector<1x1x16xf32>,
        %add3A_374 = arith.constant 144 : i32
        %add3A_375 = vector.broadcast %add3A_374 : i32 to vector<16xi32>
        %add3A_376 = arith.addi %iota3A, %add3A_375 : vector<16xi32>
        %get3A_377 = arith.index_cast %scan3A_90 : i32 to index
        %get3A_378 = arith.constant 144 : index
        %get3A_379 = tpu.vector_load %arg8[%get3A_377, %get3A_378] {strides = array<i32>} : memref<64x208xf32, #tpu.memory_space<vmem>>, vector<1x16xf32>,
        %get3A_380 = vector.shape_cast %get3A_379 : vector<1x16xf32> to vector<16xf32>
        %lt3A_381 = vector.broadcast %squeeze3A : i32 to vector<16xi32>
        %lt3A_382 = arith.cmpi slt, %add3A_376, %lt3A_381 : vector<16xi32>
        %jit3A_383 = arith.constant 0.000000e+00 : f32
        %broadcast_in_dim3A_384 = vector.broadcast %jit3A_383 : f32 to vector<16xf32>
        %select_n3A_385 = arith.select %lt3A_382, %get3A_380, %broadcast_in_dim3A_384 : vector<16xi1>, vector<16xf32>
        %swap3A_386 = arith.index_cast %rem3A_60 : i32 to index
        %swap3A_387 = arith.index_cast %scan3A_90 : i32 to index
        %swap3A_388 = arith.constant 144 : index
        %swap3A_389 = tpu.vector_load %arg10[%swap3A_386, %swap3A_387, %swap3A_388] {strides = array<i32>} : memref<2x128x208xf32, #tpu.memory_space<vmem>>, vector<1x1x16xf32>,
        %swap3A_390 = vector.shape_cast %swap3A_389 : vector<1x1x16xf32> to vector<16xf32>
        %swap3A_391 = vector.shape_cast %select_n3A_385 : vector<16xf32> to vector<1x1x16xf32>
        tpu.vector_store %arg10[%swap3A_386, %swap3A_387, %swap3A_388], %swap3A_391 {strides = array<i32>} : memref<2x128x208xf32, #tpu.memory_space<vmem>>, vector<1x1x16xf32>,
        %add3A_392 = arith.constant 144 : i32
        %add3A_393 = arith.addi %sub3A_63, %add3A_392 : i32
        %get3A_394 = arith.index_cast %scan3A_90 : i32 to index
        %get3A_395 = arith.index_cast %add3A_393 : i32 to index
        %get3A_396 = tpu.vector_load %arg9[%get3A_394, %get3A_395] {strides = array<i32>} : memref<64x416xf32, #tpu.memory_space<vmem>>, vector<1x16xf32>,
        %get3A_397 = vector.shape_cast %get3A_396 : vector<1x16xf32> to vector<16xf32>
        %add3A_398 = arith.constant 64 : i32
        %add3A_399 = arith.addi %add3A_398, %scan3A_90 : i32
        %swap3A_400 = arith.index_cast %rem3A_60 : i32 to index
        %swap3A_401 = arith.index_cast %add3A_399 : i32 to index
        %swap3A_402 = arith.constant 144 : index
        %swap3A_403 = tpu.vector_load %arg10[%swap3A_400, %swap3A_401, %swap3A_402] {strides = array<i32>} : memref<2x128x208xf32, #tpu.memory_space<vmem>>, vector<1x1x16xf32>,
        %swap3A_404 = vector.shape_cast %swap3A_403 : vector<1x1x16xf32> to vector<16xf32>
        %swap3A_405 = vector.shape_cast %get3A_397 : vector<16xf32> to vector<1x1x16xf32>
        tpu.vector_store %arg10[%swap3A_400, %swap3A_401, %swap3A_402], %swap3A_405 {strides = array<i32>} : memref<2x128x208xf32, #tpu.memory_space<vmem>>, vector<1x1x16xf32>,
        %add3A_406 = arith.constant 160 : i32
        %add3A_407 = vector.broadcast %add3A_406 : i32 to vector<16xi32>
        %add3A_408 = arith.addi %iota3A, %add3A_407 : vector<16xi32>
        %get3A_409 = arith.index_cast %scan3A_90 : i32 to index
        %get3A_410 = arith.constant 160 : index
        %get3A_411 = tpu.vector_load %arg8[%get3A_409, %get3A_410] {strides = array<i32>} : memref<64x208xf32, #tpu.memory_space<vmem>>, vector<1x16xf32>,
        %get3A_412 = vector.shape_cast %get3A_411 : vector<1x16xf32> to vector<16xf32>
        %lt3A_413 = vector.broadcast %squeeze3A : i32 to vector<16xi32>
        %lt3A_414 = arith.cmpi slt, %add3A_408, %lt3A_413 : vector<16xi32>
        %jit3A_415 = arith.constant 0.000000e+00 : f32
        %broadcast_in_dim3A_416 = vector.broadcast %jit3A_415 : f32 to vector<16xf32>
        %select_n3A_417 = arith.select %lt3A_414, %get3A_412, %broadcast_in_dim3A_416 : vector<16xi1>, vector<16xf32>
        %swap3A_418 = arith.index_cast %rem3A_60 : i32 to index
        %swap3A_419 = arith.index_cast %scan3A_90 : i32 to index
        %swap3A_420 = arith.constant 160 : index
        %swap3A_421 = tpu.vector_load %arg10[%swap3A_418, %swap3A_419, %swap3A_420] {strides = array<i32>} : memref<2x128x208xf32, #tpu.memory_space<vmem>>, vector<1x1x16xf32>,
        %swap3A_422 = vector.shape_cast %swap3A_421 : vector<1x1x16xf32> to vector<16xf32>
        %swap3A_423 = vector.shape_cast %select_n3A_417 : vector<16xf32> to vector<1x1x16xf32>
        tpu.vector_store %arg10[%swap3A_418, %swap3A_419, %swap3A_420], %swap3A_423 {strides = array<i32>} : memref<2x128x208xf32, #tpu.memory_space<vmem>>, vector<1x1x16xf32>,
        %add3A_424 = arith.constant 160 : i32
        %add3A_425 = arith.addi %sub3A_63, %add3A_424 : i32
        %get3A_426 = arith.index_cast %scan3A_90 : i32 to index
        %get3A_427 = arith.index_cast %add3A_425 : i32 to index
        %get3A_428 = tpu.vector_load %arg9[%get3A_426, %get3A_427] {strides = array<i32>} : memref<64x416xf32, #tpu.memory_space<vmem>>, vector<1x16xf32>,
        %get3A_429 = vector.shape_cast %get3A_428 : vector<1x16xf32> to vector<16xf32>
        %add3A_430 = arith.constant 64 : i32
        %add3A_431 = arith.addi %add3A_430, %scan3A_90 : i32
        %swap3A_432 = arith.index_cast %rem3A_60 : i32 to index
        %swap3A_433 = arith.index_cast %add3A_431 : i32 to index
        %swap3A_434 = arith.constant 160 : index
        %swap3A_435 = tpu.vector_load %arg10[%swap3A_432, %swap3A_433, %swap3A_434] {strides = array<i32>} : memref<2x128x208xf32, #tpu.memory_space<vmem>>, vector<1x1x16xf32>,
        %swap3A_436 = vector.shape_cast %swap3A_435 : vector<1x1x16xf32> to vector<16xf32>
        %swap3A_437 = vector.shape_cast %get3A_429 : vector<16xf32> to vector<1x1x16xf32>
        tpu.vector_store %arg10[%swap3A_432, %swap3A_433, %swap3A_434], %swap3A_437 {strides = array<i32>} : memref<2x128x208xf32, #tpu.memory_space<vmem>>, vector<1x1x16xf32>,
        %add3A_438 = arith.constant 176 : i32
        %add3A_439 = vector.broadcast %add3A_438 : i32 to vector<16xi32>
        %add3A_440 = arith.addi %iota3A, %add3A_439 : vector<16xi32>
        %get3A_441 = arith.index_cast %scan3A_90 : i32 to index
        %get3A_442 = arith.constant 176 : index
        %get3A_443 = tpu.vector_load %arg8[%get3A_441, %get3A_442] {strides = array<i32>} : memref<64x208xf32, #tpu.memory_space<vmem>>, vector<1x16xf32>,
        %get3A_444 = vector.shape_cast %get3A_443 : vector<1x16xf32> to vector<16xf32>
        %lt3A_445 = vector.broadcast %squeeze3A : i32 to vector<16xi32>
        %lt3A_446 = arith.cmpi slt, %add3A_440, %lt3A_445 : vector<16xi32>
        %jit3A_447 = arith.constant 0.000000e+00 : f32
        %broadcast_in_dim3A_448 = vector.broadcast %jit3A_447 : f32 to vector<16xf32>
        %select_n3A_449 = arith.select %lt3A_446, %get3A_444, %broadcast_in_dim3A_448 : vector<16xi1>, vector<16xf32>
        %swap3A_450 = arith.index_cast %rem3A_60 : i32 to index
        %swap3A_451 = arith.index_cast %scan3A_90 : i32 to index
        %swap3A_452 = arith.constant 176 : index
        %swap3A_453 = tpu.vector_load %arg10[%swap3A_450, %swap3A_451, %swap3A_452] {strides = array<i32>} : memref<2x128x208xf32, #tpu.memory_space<vmem>>, vector<1x1x16xf32>,
        %swap3A_454 = vector.shape_cast %swap3A_453 : vector<1x1x16xf32> to vector<16xf32>
        %swap3A_455 = vector.shape_cast %select_n3A_449 : vector<16xf32> to vector<1x1x16xf32>
        tpu.vector_store %arg10[%swap3A_450, %swap3A_451, %swap3A_452], %swap3A_455 {strides = array<i32>} : memref<2x128x208xf32, #tpu.memory_space<vmem>>, vector<1x1x16xf32>,
        %add3A_456 = arith.constant 176 : i32
        %add3A_457 = arith.addi %sub3A_63, %add3A_456 : i32
        %get3A_458 = arith.index_cast %scan3A_90 : i32 to index
        %get3A_459 = arith.index_cast %add3A_457 : i32 to index
        %get3A_460 = tpu.vector_load %arg9[%get3A_458, %get3A_459] {strides = array<i32>} : memref<64x416xf32, #tpu.memory_space<vmem>>, vector<1x16xf32>,
        %get3A_461 = vector.shape_cast %get3A_460 : vector<1x16xf32> to vector<16xf32>
        %add3A_462 = arith.constant 64 : i32
        %add3A_463 = arith.addi %add3A_462, %scan3A_90 : i32
        %swap3A_464 = arith.index_cast %rem3A_60 : i32 to index
        %swap3A_465 = arith.index_cast %add3A_463 : i32 to index
        %swap3A_466 = arith.constant 176 : index
        %swap3A_467 = tpu.vector_load %arg10[%swap3A_464, %swap3A_465, %swap3A_466] {strides = array<i32>} : memref<2x128x208xf32, #tpu.memory_space<vmem>>, vector<1x1x16xf32>,
        %swap3A_468 = vector.shape_cast %swap3A_467 : vector<1x1x16xf32> to vector<16xf32>
        %swap3A_469 = vector.shape_cast %get3A_461 : vector<16xf32> to vector<1x1x16xf32>
        tpu.vector_store %arg10[%swap3A_464, %swap3A_465, %swap3A_466], %swap3A_469 {strides = array<i32>} : memref<2x128x208xf32, #tpu.memory_space<vmem>>, vector<1x1x16xf32>,
        %add3A_470 = arith.constant 192 : i32
        %add3A_471 = vector.broadcast %add3A_470 : i32 to vector<16xi32>
        %add3A_472 = arith.addi %iota3A, %add3A_471 : vector<16xi32>
        %get3A_473 = arith.index_cast %scan3A_90 : i32 to index
        %get3A_474 = arith.constant 192 : index
        %get3A_475 = tpu.vector_load %arg8[%get3A_473, %get3A_474] {strides = array<i32>} : memref<64x208xf32, #tpu.memory_space<vmem>>, vector<1x16xf32>,
        %get3A_476 = vector.shape_cast %get3A_475 : vector<1x16xf32> to vector<16xf32>
        %lt3A_477 = vector.broadcast %squeeze3A : i32 to vector<16xi32>
        %lt3A_478 = arith.cmpi slt, %add3A_472, %lt3A_477 : vector<16xi32>
        %jit3A_479 = arith.constant 0.000000e+00 : f32
        %broadcast_in_dim3A_480 = vector.broadcast %jit3A_479 : f32 to vector<16xf32>
        %select_n3A_481 = arith.select %lt3A_478, %get3A_476, %broadcast_in_dim3A_480 : vector<16xi1>, vector<16xf32>
        %swap3A_482 = arith.index_cast %rem3A_60 : i32 to index
        %swap3A_483 = arith.index_cast %scan3A_90 : i32 to index
        %swap3A_484 = arith.constant 192 : index
        %swap3A_485 = tpu.vector_load %arg10[%swap3A_482, %swap3A_483, %swap3A_484] {strides = array<i32>} : memref<2x128x208xf32, #tpu.memory_space<vmem>>, vector<1x1x16xf32>,
        %swap3A_486 = vector.shape_cast %swap3A_485 : vector<1x1x16xf32> to vector<16xf32>
        %swap3A_487 = vector.shape_cast %select_n3A_481 : vector<16xf32> to vector<1x1x16xf32>
        tpu.vector_store %arg10[%swap3A_482, %swap3A_483, %swap3A_484], %swap3A_487 {strides = array<i32>} : memref<2x128x208xf32, #tpu.memory_space<vmem>>, vector<1x1x16xf32>,
        %add3A_488 = arith.constant 192 : i32
        %add3A_489 = arith.addi %sub3A_63, %add3A_488 : i32
        %get3A_490 = arith.index_cast %scan3A_90 : i32 to index
        %get3A_491 = arith.index_cast %add3A_489 : i32 to index
        %get3A_492 = tpu.vector_load %arg9[%get3A_490, %get3A_491] {strides = array<i32>} : memref<64x416xf32, #tpu.memory_space<vmem>>, vector<1x16xf32>,
        %get3A_493 = vector.shape_cast %get3A_492 : vector<1x16xf32> to vector<16xf32>
        %add3A_494 = arith.constant 64 : i32
        %add3A_495 = arith.addi %add3A_494, %scan3A_90 : i32
        %swap3A_496 = arith.index_cast %rem3A_60 : i32 to index
        %swap3A_497 = arith.index_cast %add3A_495 : i32 to index
        %swap3A_498 = arith.constant 192 : index
        %swap3A_499 = tpu.vector_load %arg10[%swap3A_496, %swap3A_497, %swap3A_498] {strides = array<i32>} : memref<2x128x208xf32, #tpu.memory_space<vmem>>, vector<1x1x16xf32>,
        %swap3A_500 = vector.shape_cast %swap3A_499 : vector<1x1x16xf32> to vector<16xf32>
        %swap3A_501 = vector.shape_cast %get3A_493 : vector<16xf32> to vector<1x1x16xf32>
        tpu.vector_store %arg10[%swap3A_496, %swap3A_497, %swap3A_498], %swap3A_501 {strides = array<i32>} : memref<2x128x208xf32, #tpu.memory_space<vmem>>, vector<1x1x16xf32>,
      }
      %scan3A_71 = arith.constant 64 : i32
      %dma_start3A_72 = arith.constant 0 : i32
      %dma_start3A_73 = arith.constant 0 : i32
      %dma_start3A_74 = tpu.memref_slice %arg10[%rem3A_60, %dma_start3A_72, %dma_start3A_73] : memref<2x128x208xf32, #tpu.memory_space<vmem>> -> memref<1x128x200xf32, #tpu.memory_space<vmem>>
      %dma_start3A_75 = tpu.memref_squeeze %dma_start3A_74 : memref<1x128x200xf32, #tpu.memory_space<vmem>> -> memref<128x200xf32, #tpu.memory_space<vmem>>
      %dma_start3A_76 = arith.constant 64 : i32
      %dma_start3A_77 = arith.constant 0 : i32
      %dma_start3A_78 = tpu.memref_slice %arg6[%add3A_59, %dma_start3A_76, %dma_start3A_77] : memref<4096x192x200xf32, #tpu.memory_space<hbm>> -> memref<1x128x200xf32, #tpu.memory_space<hbm>>
      %dma_start3A_79 = tpu.memref_squeeze %dma_start3A_78 : memref<1x128x200xf32, #tpu.memory_space<hbm>> -> memref<128x200xf32, #tpu.memory_space<hbm>>
      %dma_start3A_80 = tpu.memref_slice %arg12[%rem3A_60] : memref<2x!tpu.dma_semaphore, #tpu.memory_space<semaphore_mem>> -> memref<1x!tpu.dma_semaphore, #tpu.memory_space<semaphore_mem>>
      %dma_start3A_81 = tpu.memref_squeeze %dma_start3A_80 : memref<1x!tpu.dma_semaphore, #tpu.memory_space<semaphore_mem>> -> memref<!tpu.dma_semaphore, #tpu.memory_space<semaphore_mem>>
      %dma_start3A_82 = arith.constant 64 : i32
      %dma_start3A_83 = arith.constant 0 : i32
      %dma_start3A_84 = tpu.memref_slice %arg6[%add3A_59, %dma_start3A_82, %dma_start3A_83] : memref<4096x192x200xf32, #tpu.memory_space<hbm>> -> memref<1x128x200xf32, #tpu.memory_space<hbm>>
      %dma_start3A_85 = tpu.memref_squeeze %dma_start3A_84 : memref<1x128x200xf32, #tpu.memory_space<hbm>> -> memref<128x200xf32, #tpu.memory_space<hbm>>
      %dma_start3A_86 = arith.constant 0 : i32
      %dma_start3A_87 = arith.constant 0 : i32
      %dma_start3A_88 = tpu.memref_slice %arg10[%rem3A_60, %dma_start3A_86, %dma_start3A_87] : memref<2x128x208xf32, #tpu.memory_space<vmem>> -> memref<1x128x200xf32, #tpu.memory_space<vmem>>
      %dma_start3A_89 = tpu.memref_squeeze %dma_start3A_88 : memref<1x128x200xf32, #tpu.memory_space<vmem>> -> memref<128x200xf32, #tpu.memory_space<vmem>>
      tpu.enqueue_dma source(%dma_start3A_89 : memref<128x200xf32, #tpu.memory_space<vmem>>) target(%dma_start3A_85 : memref<128x200xf32, #tpu.memory_space<hbm>>) target_semaphore(%dma_start3A_81 : memref<!tpu.dma_semaphore, #tpu.memory_space<semaphore_mem>>)
    }
    %scan3A_12 = arith.constant 128 : i32
    %dma_wait3A = arith.constant 0 : i32
    %dma_wait3A_13 = arith.constant 0 : i32
    %dma_wait3A_14 = arith.constant 0 : i32
    %dma_wait3A_15 = arith.constant 0 : i32
    %dma_wait3A_16 = tpu.memref_slice %arg10[%dma_wait3A, %dma_wait3A_14, %dma_wait3A_15] : memref<2x128x208xf32, #tpu.memory_space<vmem>> -> memref<1x128x200xf32, #tpu.memory_space<vmem>>
    %dma_wait3A_17 = tpu.memref_squeeze %dma_wait3A_16 : memref<1x128x200xf32, #tpu.memory_space<vmem>> -> memref<128x200xf32, #tpu.memory_space<vmem>>
    %dma_wait3A_18 = arith.constant 64 : i32
    %dma_wait3A_19 = arith.constant 0 : i32
    %dma_wait3A_20 = tpu.memref_slice %arg6[%mul3A_2, %dma_wait3A_18, %dma_wait3A_19] : memref<4096x192x200xf32, #tpu.memory_space<hbm>> -> memref<1x128x200xf32, #tpu.memory_space<hbm>>
    %dma_wait3A_21 = tpu.memref_squeeze %dma_wait3A_20 : memref<1x128x200xf32, #tpu.memory_space<hbm>> -> memref<128x200xf32, #tpu.memory_space<hbm>>
    %dma_wait3A_22 = tpu.memref_slice %arg12[%dma_wait3A_13] : memref<2x!tpu.dma_semaphore, #tpu.memory_space<semaphore_mem>> -> memref<1x!tpu.dma_semaphore, #tpu.memory_space<semaphore_mem>>
    %dma_wait3A_23 = tpu.memref_squeeze %dma_wait3A_22 : memref<1x!tpu.dma_semaphore, #tpu.memory_space<semaphore_mem>> -> memref<!tpu.dma_semaphore, #tpu.memory_space<semaphore_mem>>
    %dma_wait3A_24 = arith.constant 64 : i32
    %dma_wait3A_25 = arith.constant 0 : i32
    %dma_wait3A_26 = tpu.memref_slice %arg6[%mul3A_2, %dma_wait3A_24, %dma_wait3A_25] : memref<4096x192x200xf32, #tpu.memory_space<hbm>> -> memref<1x128x200xf32, #tpu.memory_space<hbm>>
    %dma_wait3A_27 = tpu.memref_squeeze %dma_wait3A_26 : memref<1x128x200xf32, #tpu.memory_space<hbm>> -> memref<128x200xf32, #tpu.memory_space<hbm>>
    %dma_wait3A_28 = arith.constant 0 : i32
    %dma_wait3A_29 = arith.constant 0 : i32
    %dma_wait3A_30 = tpu.memref_slice %arg10[%dma_wait3A, %dma_wait3A_28, %dma_wait3A_29] : memref<2x128x208xf32, #tpu.memory_space<vmem>> -> memref<1x128x200xf32, #tpu.memory_space<vmem>>
    %dma_wait3A_31 = tpu.memref_squeeze %dma_wait3A_30 : memref<1x128x200xf32, #tpu.memory_space<vmem>> -> memref<128x200xf32, #tpu.memory_space<vmem>>
    tpu.wait_dma2 semaphore(%dma_wait3A_23 : memref<!tpu.dma_semaphore, #tpu.memory_space<semaphore_mem>>) src(%dma_wait3A_31 : memref<128x200xf32, #tpu.memory_space<vmem>>) dst(%dma_wait3A_27 : memref<128x200xf32, #tpu.memory_space<hbm>>)
    %dma_wait3A_32 = arith.constant 1 : i32
    %dma_wait3A_33 = arith.constant 1 : i32
    %dma_wait3A_34 = arith.constant 0 : i32
    %dma_wait3A_35 = arith.constant 0 : i32
    %dma_wait3A_36 = tpu.memref_slice %arg10[%dma_wait3A_32, %dma_wait3A_34, %dma_wait3A_35] : memref<2x128x208xf32, #tpu.memory_space<vmem>> -> memref<1x128x200xf32, #tpu.memory_space<vmem>>
    %dma_wait3A_37 = tpu.memref_squeeze %dma_wait3A_36 : memref<1x128x200xf32, #tpu.memory_space<vmem>> -> memref<128x200xf32, #tpu.memory_space<vmem>>
    %dma_wait3A_38 = arith.constant 64 : i32
    %dma_wait3A_39 = arith.constant 0 : i32
    %dma_wait3A_40 = tpu.memref_slice %arg6[%mul3A_2, %dma_wait3A_38, %dma_wait3A_39] : memref<4096x192x200xf32, #tpu.memory_space<hbm>> -> memref<1x128x200xf32, #tpu.memory_space<hbm>>
    %dma_wait3A_41 = tpu.memref_squeeze %dma_wait3A_40 : memref<1x128x200xf32, #tpu.memory_space<hbm>> -> memref<128x200xf32, #tpu.memory_space<hbm>>
    %dma_wait3A_42 = tpu.memref_slice %arg12[%dma_wait3A_33] : memref<2x!tpu.dma_semaphore, #tpu.memory_space<semaphore_mem>> -> memref<1x!tpu.dma_semaphore, #tpu.memory_space<semaphore_mem>>
    %dma_wait3A_43 = tpu.memref_squeeze %dma_wait3A_42 : memref<1x!tpu.dma_semaphore, #tpu.memory_space<semaphore_mem>> -> memref<!tpu.dma_semaphore, #tpu.memory_space<semaphore_mem>>
    %dma_wait3A_44 = arith.constant 64 : i32
    %dma_wait3A_45 = arith.constant 0 : i32
    %dma_wait3A_46 = tpu.memref_slice %arg6[%mul3A_2, %dma_wait3A_44, %dma_wait3A_45] : memref<4096x192x200xf32, #tpu.memory_space<hbm>> -> memref<1x128x200xf32, #tpu.memory_space<hbm>>
    %dma_wait3A_47 = tpu.memref_squeeze %dma_wait3A_46 : memref<1x128x200xf32, #tpu.memory_space<hbm>> -> memref<128x200xf32, #tpu.memory_space<hbm>>
    %dma_wait3A_48 = arith.constant 0 : i32
    %dma_wait3A_49 = arith.constant 0 : i32
    %dma_wait3A_50 = tpu.memref_slice %arg10[%dma_wait3A_32, %dma_wait3A_48, %dma_wait3A_49] : memref<2x128x208xf32, #tpu.memory_space<vmem>> -> memref<1x128x200xf32, #tpu.memory_space<vmem>>
    %dma_wait3A_51 = tpu.memref_squeeze %dma_wait3A_50 : memref<1x128x200xf32, #tpu.memory_space<vmem>> -> memref<128x200xf32, #tpu.memory_space<vmem>>
    tpu.wait_dma2 semaphore(%dma_wait3A_43 : memref<!tpu.dma_semaphore, #tpu.memory_space<semaphore_mem>>) src(%dma_wait3A_51 : memref<128x200xf32, #tpu.memory_space<vmem>>) dst(%dma_wait3A_47 : memref<128x200xf32, #tpu.memory_space<hbm>>)
    %dma_wait3A_52 = arith.constant 0 : i32
    %dma_wait3A_53 = arith.constant 0 : i32
    %dma_wait3A_54 = tpu.memref_slice %arg6[%mul3A_2, %dma_wait3A_52, %dma_wait3A_53] : memref<4096x192x200xf32, #tpu.memory_space<hbm>> -> memref<128x64x200xf32, #tpu.memory_space<hbm>>
    %dma_wait3A_55 = arith.constant 0 : i32
    %dma_wait3A_56 = arith.constant 0 : i32
    %dma_wait3A_57 = tpu.memref_slice %arg2[%mul3A_2, %dma_wait3A_55, %dma_wait3A_56] : memref<4096x64x200xf32, #tpu.memory_space<hbm>> -> memref<128x64x200xf32, #tpu.memory_space<hbm>>
    tpu.wait_dma2 semaphore(%arg11 : memref<!tpu.dma_semaphore, #tpu.memory_space<semaphore_mem>>) src(%dma_wait3A_57 : memref<128x64x200xf32, #tpu.memory_space<hbm>>) dst(%dma_wait3A_54 : memref<128x64x200xf32, #tpu.memory_space<hbm>>)
    return
  }
}

</mosaic_0001>

<sc_bundles>
// kernel: kernel.3.cloned.1.call-start
scs
__scs_entry_jumppad:
0x0: {  	(pc) =	sbr.rel $0x88, $3  }
0x1: {  	(tag) =	ssettag $0x0;
	lr =	simm.s32 $0x1  }
0x2: {  	[smem:$0x3F9E] =	sst lr;
	_ =	strace $0xD0000000  }
0x3: {  	_ = 	snop  }
0x4: {  	_ = 	snop  }
0x5: {  	_ = 	snop  }
0x6: {  	_ = 	snop  }
0x7: {  	_ = 	snop  }
__scs_overlays_trampoline_lowered:
0x8: {  	[smem:$0x3FAD] =	sst s0  }
0x9: {  	[smem:$0x3FAE] =	sst s1  }
0xa: {  	[smem:$0x3FAF] =	sst s2  }
0xb: {  	[smem:$0x3FB0] =	sst s3  }
0xc: {  	[smem:$0x3FB1] =	sst s4  }
0xd: {  	[smem:$0x3FB2] =	sst s5  }
0xe: {  	[smem:$0x3FB3] =	sst s6  }
0xf: {  	[smem:$0x3FB4] =	sst s7  }
0x10: {  	[smem:$0x3FB5] =	sst s8  }
0x11: {  	[smem:$0x3FB6] =	sst s9;
	s0 =	simm.s32 @!p0 $0x0  }
0x12: {  	s1 =	sld [smem:$0x3F9C];
	s0 =	simm.s32 @p0 $0x1  }
0x13: {  	[smem:$0x3FB7] =	sst s0;
	s0 =	simm.s32 @!p1 $0x0  }
0x14: {  	s2 =	sld [smem:$0x3F9B];
	s0 =	simm.s32 @p1 $0x1  }
0x15: {  	[smem:$0x3FB8] =	sst s0;
	s0 =	simm.s32 @!p2 $0x0  }
0x16: {  	s3 =	sld [smem:$0x3FDB];
	s0 =	simm.s32 @p2 $0x1  }
0x17: {  	s4 =	simm.s32 $0x1BF5;
	[smem:$0x3FBA] =	sst s0  }
0x18: {  	s0 =	sld [smem:$0x3F9D];
	_ =	swait.ge [sflag:s4], $0x0  }
0x19: {  	s7 =	sld [smem:$0x3F9E]  }
0x1a: {  	s8 =	sadd.s32 $0xFFFFE003, lr  }
0x1b: {  	s9 =	sadd.s32 $0xFFFFFEF7, lr;
	s5 =	simm.s32 $0xFFFFFFFF;
	p2 =	slt.u32 s8, $0xFFFFF086  }
0x1c: {  	p1 =	slt.u32 s9, $0xF7A;
	s5 =	simm.s32 @!p2 $0x0  }
0x1d: {  	s5 =	simm.s32 @p1 $0x1;
	p0 =	seq.s32 s7, s2  }
0x1e: {  	s7 =	smul.u32 @!p0 $0xF7A, s2;
	p2 =	seq.s32 @!p0 s5, $0x0  }
0x1f: {  	s9 =	smul.u32 $0xF7A, s1;
	s8 =	simm.s32 @!p0 $0x1BF5;
	p2 =	por !p2, p0  }
0x20: {  	[sflag:s8] =	ssyncset.s32 @!p0 $0xFFFFF086;
	s6 =	sadd.s32 @!p0 s3, s7;
	s7 =	simm.s32 @!p0 $0x108  }
0x21: {  	s3 =	sadd.s32 s3, s9;
	s6 =	sadd.s32 @!p0 $0x88, s6;
	s7 =	simm.s32 @p2 $0x1082  }
0x22: {  	[simem:s7], [sflag:s8] =	dma.local @!p0 [hbm:s6], $0xF7A  }
0x23: {  	s9 =	sor.u32 $0xD0000000, s2;
	s6 =	simm.s32 $0x108;
	_ =	swait.ge @!p0 [sflag:s8], $0x0  }
0x24: {  	s3 =	sadd.s32 $0x88, s3;
	s6 =	simm.s32 @!p1 $0x1082;
	[sflag:s4] =	ssyncset.s32 $0xFFFFF086  }
0x25: {  	[simem:s6], [sflag:s4] =	dma.local [hbm:s3], $0xF7A  }
0x26: {  	[smem:$0x3F9E] =	sst s1;
	(tag) =	ssettag s2;
	_ =	strace s9  }
0x27: {  	s1 =	sld [smem:$0x3FAE]  }
0x28: {  	s2 =	sld [smem:$0x3FAF]  }
0x29: {  	s4 =	sld [smem:$0x3FB1]  }
0x2a: {  	p0 =	seq.s32 s5, $0x0;
	s5 =	sld [smem:$0x3FB2]  }
0x2b: {  	s6 =	sld [smem:$0x3FB3]  }
0x2c: {  	s7 =	sld [smem:$0x3FB4]  }
0x2d: {  	s3 =	simm.s32 $0x108;
	s8 =	sld [smem:$0x3FB5]  }
0x2e: {  	s3 =	simm.s32 @!p0 $0x1082;
	s9 =	sld [smem:$0x3FB6]  }
0x2f: {  	lr =	sadd.s32 s0, s3;
	s0 =	sld [smem:$0x3FAD]  }
0x30: {  	s3 =	sld [smem:$0x3FB0]  }
0x31: {  	[smem:$0x3FB9] =	sst s10  }
0x32: {  	s10 =	sld [smem:$0x3FB7];
	_ =	sdelay $0x3  }
0x33: {  	p0 =	seq.s32 s10, $0x1;
	s10 =	sld [smem:$0x3FB9];
	_ =	sdelay $0x3  }
0x34: {  	[smem:$0x3FB9] =	sst s10  }
0x35: {  	s10 =	sld [smem:$0x3FB8];
	_ =	sdelay $0x3  }
0x36: {  	p1 =	seq.s32 s10, $0x1;
	s10 =	sld [smem:$0x3FB9];
	_ =	sdelay $0x3  }
0x37: {  	[smem:$0x3FB9] =	sst s10  }
0x38: {  	s10 =	sld [smem:$0x3FBA]  }
0x39: {  	_ = 	snop;
	(pc) =	sbr.ind lr, $3  }
0x3a: {  	_ = 	snop  }
0x3b: {  	_ = 	snop  }
0x3c: {  	p2 =	seq.s32 s10, $0x1;
	s10 =	sld [smem:$0x3FB9]  }
0x3d: {  	_ =	shalt  }
0x3e: {  	_ =	shalt  }
0x3f: {  	_ =	shalt  }
0x40: {  	_ =	shalt  }
0x41: {  	_ =	shalt  }
0x42: {  	_ =	shalt  }
0x43: {  	_ =	shalt  }
0x44: {  	_ =	shalt  }
0x45: {  	_ =	shalt  }
0x46: {  	_ =	shalt  }
0x47: {  	_ =	shalt  }
0x48: {  	_ =	shalt  }
0x49: {  	_ =	shalt  }
0x4a: {  	_ =	shalt  }
0x4b: {  	_ =	shalt  }
0x4c: {  	_ =	shalt  }
0x4d: {  	_ =	shalt  }
0x4e: {  	_ =	shalt  }
0x4f: {  	_ =	shalt  }
0x50: {  	_ =	shalt  }
0x51: {  	_ =	shalt  }
0x52: {  	_ =	shalt  }
0x53: {  	_ =	shalt  }
0x54: {  	_ =	shalt  }
0x55: {  	_ =	shalt  }
0x56: {  	_ =	shalt  }
0x57: {  	_ =	shalt  }
0x58: {  	_ =	shalt  }
0x59: {  	_ =	shalt  }
0x5a: {  	_ =	shalt  }
0x5b: {  	_ =	shalt  }
0x5c: {  	_ =	shalt  }
0x5d: {  	_ =	shalt  }
0x5e: {  	_ =	shalt  }
0x5f: {  	_ =	shalt  }
0x60: {  	_ =	shalt  }
0x61: {  	_ =	shalt  }
0x62: {  	_ =	shalt  }
0x63: {  	_ =	shalt  }
0x64: {  	_ =	shalt  }
0x65: {  	_ =	shalt  }
0x66: {  	_ =	shalt  }
0x67: {  	_ =	shalt  }
0x68: {  	_ =	shalt  }
0x69: {  	_ =	shalt  }
0x6a: {  	_ =	shalt  }
0x6b: {  	_ =	shalt  }
0x6c: {  	_ =	shalt  }
0x6d: {  	_ =	shalt  }
0x6e: {  	_ =	shalt  }
0x6f: {  	_ =	shalt  }
0x70: {  	_ =	shalt  }
0x71: {  	_ =	shalt  }
0x72: {  	_ =	shalt  }
0x73: {  	_ =	shalt  }
0x74: {  	_ =	shalt  }
0x75: {  	_ =	shalt  }
0x76: {  	_ =	shalt  }
0x77: {  	_ =	shalt  }
0x78: {  	_ =	shalt  }
0x79: {  	_ =	shalt  }
0x7a: {  	_ =	shalt  }
0x7b: {  	_ =	shalt  }
0x7c: {  	_ =	shalt  }
0x7d: {  	_ =	shalt  }
0x7e: {  	_ =	shalt  }
0x7f: {  	_ =	shalt  }
0x80: {  	_ =	shalt  }
0x81: {  	_ =	shalt  }
0x82: {  	_ =	shalt  }
0x83: {  	_ =	shalt  }
0x84: {  	_ =	shalt  }
0x85: {  	_ =	shalt  }
0x86: {  	_ =	shalt  }
0x87: {  	_ =	shalt  }
.Lfunc_end0:
.L_simem_size_0:
called_computation.1_lowered:
.L_overlay_start_0:
0x88: {  	s2 =	sld [smem:$0x3FD9]  }
0x89: {  	s3 =	sld [smem:$0x3FFE];
	_ =	sdelay $0x1  }
0x8a: {  	s1 =	srdreg.scid  }
0x8b: {  	s0 =	sand.u32 $0x1, s1  }
0x8c: {  	s17 =	sshll.u32 s0, $0xA;
	s2 =	sadd.s32 s3, s2  }
0x8d: {  	s2 =	sadd.s32 s2, s17  }
0x8e: {  	[smem:$0x3FC5] =	sst s2  }
0x8f: {  	_ = 	snop  }
0x90: {  	s2 =	sld [smem:$0x3FC8]  }
0x91: {  	s18 =	sld [smem:$0x3FD0];
	(tm) =	ssettm $0x1  }
0x92: {  	s4 =	sld [smem:$0x3FFB];
	_ =	sdelay $0x3  }
0x93: {  	_ =	strace s4  }
0x94: {  	s4 =	sld [smem:$0x3FFC];
	_ =	sdelay $0x3  }
0x95: {  	_ =	strace s4  }
0x96: {  	s4 =	sld [smem:$0x3FFD];
	_ =	sdelay $0x3  }
0x97: {  	_ =	strace s4  }
0x98: {  	_ =	strace $0x8FFFFFFF  }
0x99: {  	s19 =	sld [smem:$0x3FDB];
	_ =	sdelay $0x1  }
0x9a: {  	s5 =	simm.s32 $_scs_section_size  }
0x9b: {  	s6 =	simm.s32 $_size__tile_overlayer_lowered;
	s7 =	simm.s32 $_tile_overlayer_lowered  }
0x9c: {  	s22 =	simm.s32 $0x1BFF;
	s21 =	sshll.u32 s7, $0x1;
	s4 =	sadd.s32 s5, s19  }
0x9d: {  	s8 =	simm.s32 $0x0;
	s20 =	sshll.u32 s6, $0x1;
	s6 =	sadd.s32 s21, s4  }
0x9e: {  	[timem:s8], [sflag:s22] =	dma.local [hbm:s6], s20  }
0x9f: {  	_ =	swait.ge [sflag:s22], s20  }
0xa0: {  	s5 =	ssub.s32 $0x0, s20;
	[sflag:s22] =	ssyncset.done $0x0  }
0xa1: {  	[sflag:s22] =	ssyncadd.s32 s5;
	_ =	sdelay $0x1  }
0xa2: {  	s23 =	simm.s32 $0x1B8B  }
0xa3: {  	_ =	swait.ge [sflag:s23], $0x1  }
0xa4: {  	[sflag:s23] =	ssyncset.done $0x0  }
0xa5: {  	s25 =	simm.s32 $0x1B8E;
	s24 =	sld [smem:$0x3FFE];
	[sflag:s23] =	ssyncadd.s32 $0xFFFFFFFF  }
0xa6: {  	s26 =	simm.s32 $execute0_lowered;
	[smem:$0x3FD2] =	sst s25  }
0xa7: {  	s6 =	sshll.u32 s26, $0x1;
	_ =	strace $0x80000046;
	[dreg:$0x1] =	wrdreg $0xFFFFFFFF  }
0xa8: {  	s28 =	simm.s32 $_size_execute0_lowered;
	s4 =	sadd.s32 s4, s6;
	[dreg:$0x0] =	wrdreg $0x0  }
0xa9: {  	s6 =	sshll.u32 s28, $0x1;
	[dreg:$0x2] =	wrdreg s4  }
0xaa: {  	[dreg:$0x3] =	wrdreg s6  }
0xab: {  	[dreg:$0x4] =	wrdreg $0xC0  }
0xac: {  	_ =	task [dreg:s8], $0x5FFFF  }
0xad: {  	[dreg:$0x1] =	wrdreg $0xFFFFFFFF  }
0xae: {  	[dreg:$0x0] =	wrdreg $0x60  }
0xaf: {  	[dreg:$0x2] =	wrdreg s24  }
0xb0: {  	[dreg:$0x3] =	wrdreg s2  }
0xb1: {  	[dreg:$0x4] =	wrdreg s18  }
0xb2: {  	[dreg:$0x5] =	wrdreg $0x9  }
0xb3: {  	_ =	task.clear_ibuf [dreg:s8], $0x6FFFF;
	_ =	strace $0x90000046  }
0xb4: {  	s29 =	simm.s32 $0x9;
	_ =	strace $0x80000048  }
0xb5: {  	_ =	swait.ge [sflag:s29], $0x1  }
0xb6: {  	[sflag:s29] =	ssyncadd.s32 $0xFFFFFFFF  }
0xb7: {  	_ =	strace $0x90000048  }
0xb8: {  	_ =	sfence  }
0xb9: {  	s30 =	sld [smem:$0x0];
	_ =	sdelay $0x2  }
0xba: {  	s31 =	sshll.u32 s1, $0xD;
	s1 =	sshrl.u32 s1, $0x2  }
0xbb: {  	s3 =	sand.u32 $0x4000, s31;
	s1 =	sadd.s32 s1, s30  }
0xbc: {  	s0 =	sor.u32 s3, s0;
	s1 =	sshll.u32 s1, $0x11  }
0xbd: {  	s0 =	sor.u32 s1, s0  }
0xbe: {  	s0 =	sadd.s32 $0x8F2B, s0  }
0xbf: {  	[sflag:s0] =	ssyncadd.remote.s32 $0x1  }
0xc0: {  	_ =	sfence.sel $0xFFFF  }
0xc1: {  	[dreg:$0x0] =	wrdreg $0xFFFFFFFF;
	(pc) =	sbr.abs _section_cstart, $3  }
0xc2: {  	[dreg:$0x1] =	wrdreg $0xFFFFFFFF  }
0xc3: {  	_ =	task.clear_ibuf [dreg:s8], $0x2FFFF;
	_ =	strace $0x9FFFFFFF  }
0xc4: {  	(tm) =	ssettm $0x7FFFFFFF  }
0xc5: {  	_ =	shalt  }
tec
execute0_lowered:
.L_overlay_start_1:
0x0: {  	(tag) =	ssettag $0x1  }
0x1: {  	s0 =	rddreg [dreg:$0x0]  }
0x2: {  	s1 =	srdreg.scid;
	s5 =	rddreg [dreg:$0x1]  }
0x3: {  	s8 =	stileid.u32;
	s2 =	rddreg [dreg:$0x2];
	s1 =	sand.u32 $0x1, s1  }
0x4: {  	s3 =	simm.s32 $0x0;
	s4 =	sshll.u32 s8, $0x8;
	s6 =	sshll.u32 s1, $0x7  }
0x5: {  	[smem:$0x7FF] =	sst s3;
	s4 =	sor.u32 s6, s4  }
0x6: {  	s9 =	sadd.s32 $0x1600, s0;
	s30 =	sshll.u32 s8, $0x6;
	s6 =	smul.u32 $0x640, s4  }
0x7: {  	_ =	strace $0x80000047;
	s1 =	ssub.s32 $0x2, s1;
	s7 =	smul.u32 $0x12C0, s4  }
0x8: {  	[dreg:$0x4] =	wrdreg s9;
	s6 =	sadd.s32 s6, s0;
	s0 =	sadd.s32 $0x800, s0  }
0x9: {  	s28 =	sshrl.u32 s1, $0x1;
	s29 =	sadd.s32 s2, s7;
	[dreg:$0x5] =	wrdreg s0  }
0xa: {  	v0 =	vlaneseq.u32;
	s31 =	sshrl.u32 s4, $0x3;
	[dreg:$0x6] =	wrdreg s29;
	s6 =	sadd.s32 $0x1E00, s6  }
0xb: {  	v1 =	vor.u32 $0xC0, v0;
	v2 =	vor.u32 $0xB0, v0;
	v3 =	vor.u32 $0xA0, v0;
	s0 =	ssub.s32 s1, s28;
	s1 =	sor.u32 $0x1C01, s30;
	[dreg:$0x7] =	wrdreg s6  }
0xc: {  	s15 =	simm.s32 $0x4;
	v4 =	vor.u32 $0x90, v0;
	v5 =	vor.u32 $0x80, v0;
	v6 =	vor.u32 $0x70, v0;
	[dreg:$0x8] =	wrdreg s1;
	s1 =	sadd.s32 s5, s31  }
0xd: {  	s19 =	simm.s32 $0x2;
	v7 =	vor.u32 $0x60, v0;
	v8 =	vor.u32 $0x50, v0;
	v9 =	vor.u32 $0x40, v0;
	s0 =	smax.u32 s0, $0x1;
	[dreg:$0x9] =	wrdreg s1  }
0xe: {  	s20 =	simm.s32 $0x3;
	s21 =	simm.s32 $0x0;
	v10 =	vor.u32 $0x30, v0;
	v11 =	vor.u32 $0x20, v0;
	v12 =	vor.u32 $0x10, v0;
	[dreg:$0xa] =	wrdreg s0  }
.LBB2_1:
0xf: {  	s0 =	rddreg [dreg:$0x6]  }
0x10: {  	s1 =	rddreg [dreg:$0x7]  }
0x11: {  	s5 =	rddreg [dreg:$0x8]  }
0x12: {  	s6 =	simm.s32 $0x64;
	s7 =	simm.s32 $0x12C0;
	s8 =	simm.s32 $0x640  }
0x13: {  	[hbm:s0@s7], [sflag:s5] =	dma.strided [hbm:s1@s8], $0x32000, s6, $0x10   }
0x14: {  	s0 =	rddreg [dreg:$0x9]  }
0x15: {  	[tilespmem:s3], [sflag:$0x4] =	stream.linear.gather [hbm4b:s0+s3], $0x80, $0x38;
	[tilespmem:$0x16C90] =	vst v63  }
0x16: {  	_ =	swait.ge [sflag:s15], $0x80  }
0x17: {  	[sflag:s15] =	ssyncset.done $0x0  }
0x18: {  	s29 =	simm.s32 $0x90;
	s28 =	rddreg [dreg:$0x4];
	[sflag:s15] =	ssyncadd.s32 $0xFFFFFF80  }
0x19: {  	[tilespmem:s29], [sflag:$0x4] =	stream.linear.gather [hbm4b:s28+s3], $0x3400, $0x38;
	[tilespmem:$0x16C90] =	vst v63  }
0x1a: {  	_ =	swait.ge [sflag:s15], $0x3400  }
0x1b: {  	[sflag:s15] =	ssyncset.done $0x0  }
0x1c: {  	s31 =	simm.s32 $0x3490;
	s30 =	rddreg [dreg:$0x5];
	[sflag:s15] =	ssyncadd.s32 $0xFFFFCC00  }
0x1d: {  	[tilespmem:s31], [sflag:$0x4] =	stream.linear.gather [hbm4b:s30+s3], $0x6800, $0x38;
	[tilespmem:$0x16C90] =	vst v63  }
0x1e: {  	_ =	swait.ge [sflag:s15], $0x6800  }
0x1f: {  	[sflag:s15] =	ssyncset.done $0x0  }
0x20: {  	p0 =	por $0x0, $0x0;
	s22 =	simm.s32 $0x0;
	[sflag:s15] =	ssyncadd.s32 $0xFFFF9800  }
.LBB2_2:
0x21: {  	v14 =	vld [tilespmem:s22+$0x0];
	_ =	sdelay $0x4  }
0x22: {  	(v2sf) =	vpush v14, $0x0;
	_ =	sdelay $0xc  }
0x23: {  	s0 =	simm.s32 $0x1  }
0x24: {  	s24 =	sand.u32 $0x1, s22;
	p1 =	slt.u32 s22, $0x2;
	s0 =	simm.s32 @!p0 $0x0  }
0x25: {  	s5 =	sor.u32 @!p1 $0x2, s24;
	s1 =	smul.u32 $0x1A000, s0;
	s0 =	spop (v2sf)  }
0x26: {  	_ =	swait.ge @!p1 [sflag:s5], $0x6400  }
0x27: {  	s25 =	simm.s32 $0x0;
	s6 =	ssub.s32 $0xC8, s0;
	[sflag:s5] =	ssyncset.done @!p1 $0x0  }
0x28: {  	s1 =	sshrl.u32 s1, $0x2;
	s18 =	sand.u32 $0x7, s6;
	[sflag:s5] =	ssyncadd.s32 @!p1 $0xFFFF9C00  }
0x29: {  	s23 =	sadd.s32 $0x9C90, s1;
	s26 =	sshll.u32 s18, $0x2;
	v16 =	vld [tilespmem:s25+$0x90]  }
0x2a: {  	v13 =	vmov s23;
	s1 =	sshrl.u32 s26, $0x2  }
0x2b: {  	v15 =	vbroadcast v14, $0x0;
	v14 =	vmov s1  }
0x2c: {  	s5 =	sshll.u32 s6, $0x2  }
0x2d: {  	vm0 =	vgt.s32 v15, v0;
	s1 =	sshra.s32 s5, $0x2  }
0x2e: {  	s1 =	sand.u32 $0xFFFFFFF8, s1;
	v16 =	vnsel vm0, $0x0, v16  }
0x2f: {  	s1 =	sadd.s32 $0x3490, s1;
	[tilespmem:v13+s25+$0x0 ss:$0x1] =	vst.idx.msk $0xffff, v16  }
0x30: {  	v16 =	vld.idx.msk [tilespmem:v14+s1+$0x0 ss:$0x1], $0xffff;
	_ =	sdelay $0x4  }
0x31: {  	[tilespmem:v13+s25+$0x3400 ss:$0x1] =	vst.idx.msk $0xffff, v16  }
0x32: {  	v16 =	vld [tilespmem:s25+$0xA0];
	_ =	sdelay $0x1  }
0x33: {  	s6 =	ssub.s32 $0xD8, s0  }
0x34: {  	s5 =	sshll.u32 s6, $0x2  }
0x35: {  	vm1 =	vgt.s32 v15, v12;
	s5 =	sshra.s32 s5, $0x2  }
0x36: {  	s5 =	sand.u32 $0xFFFFFFF8, s5;
	v16 =	vnsel vm1, $0x0, v16  }
0x37: {  	s5 =	sadd.s32 $0x3490, s5;
	[tilespmem:v13+s25+$0x10 ss:$0x1] =	vst.idx.msk $0xffff, v16  }
0x38: {  	v16 =	vld.idx.msk [tilespmem:v14+s5+$0x0 ss:$0x1], $0xffff;
	_ =	sdelay $0x4  }
0x39: {  	[tilespmem:v13+s25+$0x3410 ss:$0x1] =	vst.idx.msk $0xffff, v16  }
0x3a: {  	v16 =	vld [tilespmem:s25+$0xB0];
	_ =	sdelay $0x1  }
0x3b: {  	s7 =	ssub.s32 $0xE8, s0  }
0x3c: {  	s6 =	sshll.u32 s7, $0x2  }
0x3d: {  	vm2 =	vgt.s32 v15, v11;
	s6 =	sshra.s32 s6, $0x2  }
0x3e: {  	s6 =	sand.u32 $0xFFFFFFF8, s6;
	v16 =	vnsel vm2, $0x0, v16  }
0x3f: {  	s6 =	sadd.s32 $0x3490, s6;
	[tilespmem:v13+s25+$0x20 ss:$0x1] =	vst.idx.msk $0xffff, v16  }
0x40: {  	v16 =	vld.idx.msk [tilespmem:v14+s6+$0x0 ss:$0x1], $0xffff;
	_ =	sdelay $0x4  }
0x41: {  	[tilespmem:v13+s25+$0x3420 ss:$0x1] =	vst.idx.msk $0xffff, v16  }
0x42: {  	v16 =	vld [tilespmem:s25+$0xC0];
	_ =	sdelay $0x1  }
0x43: {  	s7 =	ssub.s32 $0xF8, s0  }
0x44: {  	s7 =	sshll.u32 s7, $0x2  }
0x45: {  	vm3 =	vgt.s32 v15, v10;
	s7 =	sshra.s32 s7, $0x2  }
0x46: {  	s7 =	sand.u32 $0xFFFFFFF8, s7;
	v16 =	vnsel vm3, $0x0, v16  }
0x47: {  	s9 =	sadd.s32 $0x3490, s7;
	[tilespmem:v13+s25+$0x30 ss:$0x1] =	vst.idx.msk $0xffff, v16  }
0x48: {  	v16 =	vld.idx.msk [tilespmem:v14+s9+$0x0 ss:$0x1], $0xffff;
	_ =	sdelay $0x4  }
0x49: {  	[tilespmem:v13+s25+$0x3430 ss:$0x1] =	vst.idx.msk $0xffff, v16  }
0x4a: {  	v16 =	vld [tilespmem:s25+$0xD0];
	_ =	sdelay $0x1  }
0x4b: {  	s8 =	ssub.s32 $0x108, s0  }
0x4c: {  	s7 =	sshll.u32 s8, $0x2  }
0x4d: {  	vm4 =	vgt.s32 v15, v9;
	s7 =	sshra.s32 s7, $0x2  }
0x4e: {  	s7 =	sand.u32 $0xFFFFFFF8, s7;
	v16 =	vnsel vm4, $0x0, v16  }
0x4f: {  	s13 =	sadd.s32 $0x3490, s7;
	[tilespmem:v13+s25+$0x40 ss:$0x1] =	vst.idx.msk $0xffff, v16  }
0x50: {  	v16 =	vld.idx.msk [tilespmem:v14+s13+$0x0 ss:$0x1], $0xffff;
	_ =	sdelay $0x4  }
0x51: {  	[tilespmem:v13+s25+$0x3440 ss:$0x1] =	vst.idx.msk $0xffff, v16  }
0x52: {  	v16 =	vld [tilespmem:s25+$0xE0];
	_ =	sdelay $0x1  }
0x53: {  	s10 =	ssub.s32 $0x118, s0  }
0x54: {  	s7 =	sshll.u32 s10, $0x2  }
0x55: {  	vm5 =	vgt.s32 v15, v8;
	s7 =	sshra.s32 s7, $0x2  }
0x56: {  	s7 =	sand.u32 $0xFFFFFFF8, s7;
	v16 =	vnsel vm5, $0x0, v16  }
0x57: {  	s12 =	sadd.s32 $0x3490, s7;
	[tilespmem:v13+s25+$0x50 ss:$0x1] =	vst.idx.msk $0xffff, v16  }
0x58: {  	v16 =	vld.idx.msk [tilespmem:v14+s12+$0x0 ss:$0x1], $0xffff;
	_ =	sdelay $0x4  }
0x59: {  	[tilespmem:v13+s25+$0x3450 ss:$0x1] =	vst.idx.msk $0xffff, v16  }
0x5a: {  	v16 =	vld [tilespmem:s25+$0xF0];
	_ =	sdelay $0x1  }
0x5b: {  	s11 =	ssub.s32 $0x128, s0  }
0x5c: {  	s7 =	sshll.u32 s11, $0x2  }
0x5d: {  	vm6 =	vgt.s32 v15, v7;
	s7 =	sshra.s32 s7, $0x2  }
0x5e: {  	s7 =	sand.u32 $0xFFFFFFF8, s7;
	v16 =	vnsel vm6, $0x0, v16  }
0x5f: {  	s29 =	sadd.s32 $0x3490, s7;
	[tilespmem:v13+s25+$0x60 ss:$0x1] =	vst.idx.msk $0xffff, v16  }
0x60: {  	v16 =	vld.idx.msk [tilespmem:v14+s29+$0x0 ss:$0x1], $0xffff;
	_ =	sdelay $0x4  }
0x61: {  	[tilespmem:v13+s25+$0x3460 ss:$0x1] =	vst.idx.msk $0xffff, v16  }
0x62: {  	v16 =	vld [tilespmem:s25+$0x100];
	_ =	sdelay $0x1  }
0x63: {  	s14 =	ssub.s32 $0x138, s0  }
0x64: {  	s7 =	sshll.u32 s14, $0x2  }
0x65: {  	vm7 =	vgt.s32 v15, v6;
	s7 =	sshra.s32 s7, $0x2  }
0x66: {  	s7 =	sand.u32 $0xFFFFFFF8, s7;
	v16 =	vnsel vm7, $0x0, v16  }
0x67: {  	s30 =	sadd.s32 $0x3490, s7;
	[tilespmem:v13+s25+$0x70 ss:$0x1] =	vst.idx.msk $0xffff, v16  }
0x68: {  	v16 =	vld.idx.msk [tilespmem:v14+s30+$0x0 ss:$0x1], $0xffff;
	_ =	sdelay $0x4  }
0x69: {  	[tilespmem:v13+s25+$0x3470 ss:$0x1] =	vst.idx.msk $0xffff, v16  }
0x6a: {  	v16 =	vld [tilespmem:s25+$0x110];
	_ =	sdelay $0x1  }
0x6b: {  	s16 =	ssub.s32 $0x148, s0  }
0x6c: {  	s7 =	sshll.u32 s16, $0x2  }
0x6d: {  	vm8 =	vgt.s32 v15, v5;
	s7 =	sshra.s32 s7, $0x2  }
0x6e: {  	s7 =	sand.u32 $0xFFFFFFF8, s7;
	v16 =	vnsel vm8, $0x0, v16  }
0x6f: {  	s31 =	sadd.s32 $0x3490, s7;
	[tilespmem:v13+s25+$0x80 ss:$0x1] =	vst.idx.msk $0xffff, v16  }
0x70: {  	v16 =	vld.idx.msk [tilespmem:v14+s31+$0x0 ss:$0x1], $0xffff;
	_ =	sdelay $0x4  }
0x71: {  	[tilespmem:v13+s25+$0x3480 ss:$0x1] =	vst.idx.msk $0xffff, v16  }
0x72: {  	v16 =	vld [tilespmem:s25+$0x120];
	_ =	sdelay $0x1  }
0x73: {  	s17 =	ssub.s32 $0x158, s0  }
0x74: {  	s7 =	sshll.u32 s17, $0x2  }
0x75: {  	vm9 =	vgt.s32 v15, v4;
	s7 =	sshra.s32 s7, $0x2  }
0x76: {  	s7 =	sand.u32 $0xFFFFFFF8, s7;
	v16 =	vnsel vm9, $0x0, v16  }
0x77: {  	s10 =	sadd.s32 $0x3490, s7;
	[tilespmem:v13+s25+$0x90 ss:$0x1] =	vst.idx.msk $0xffff, v16  }
0x78: {  	v16 =	vld.idx.msk [tilespmem:v14+s10+$0x0 ss:$0x1], $0xffff;
	_ =	sdelay $0x4  }
0x79: {  	[tilespmem:v13+s25+$0x3490 ss:$0x1] =	vst.idx.msk $0xffff, v16  }
0x7a: {  	v16 =	vld [tilespmem:s25+$0x130];
	_ =	sdelay $0x1  }
0x7b: {  	s18 =	ssub.s32 $0x168, s0  }
0x7c: {  	s7 =	sshll.u32 s18, $0x2  }
0x7d: {  	vm10 =	vgt.s32 v15, v3;
	s7 =	sshra.s32 s7, $0x2  }
0x7e: {  	s7 =	sand.u32 $0xFFFFFFF8, s7;
	v16 =	vnsel vm10, $0x0, v16  }
0x7f: {  	s11 =	sadd.s32 $0x3490, s7;
	[tilespmem:v13+s25+$0xA0 ss:$0x1] =	vst.idx.msk $0xffff, v16  }
0x80: {  	v16 =	vld.idx.msk [tilespmem:v14+s11+$0x0 ss:$0x1], $0xffff;
	_ =	sdelay $0x4  }
0x81: {  	[tilespmem:v13+s25+$0x34A0 ss:$0x1] =	vst.idx.msk $0xffff, v16  }
0x82: {  	v16 =	vld [tilespmem:s25+$0x140];
	_ =	sdelay $0x1  }
0x83: {  	s26 =	ssub.s32 $0x178, s0  }
0x84: {  	s7 =	sshll.u32 s26, $0x2  }
0x85: {  	vm11 =	vgt.s32 v15, v2;
	s7 =	sshra.s32 s7, $0x2  }
0x86: {  	s7 =	sand.u32 $0xFFFFFFF8, s7;
	v16 =	vnsel vm11, $0x0, v16  }
0x87: {  	s18 =	sadd.s32 $0x3490, s7;
	[tilespmem:v13+s25+$0xB0 ss:$0x1] =	vst.idx.msk $0xffff, v16  }
0x88: {  	v16 =	vld.idx.msk [tilespmem:v14+s18+$0x0 ss:$0x1], $0xffff;
	_ =	sdelay $0x4  }
0x89: {  	[tilespmem:v13+s25+$0x34B0 ss:$0x1] =	vst.idx.msk $0xffff, v16  }
0x8a: {  	v16 =	vld [tilespmem:s25+$0x150];
	_ =	sdelay $0x1  }
0x8b: {  	s0 =	ssub.s32 $0x188, s0  }
0x8c: {  	s0 =	sshll.u32 s0, $0x2  }
0x8d: {  	vm12 =	vgt.s32 v15, v1;
	s0 =	sshra.s32 s0, $0x2  }
0x8e: {  	s0 =	sand.u32 $0xFFFFFFF8, s0;
	v15 =	vnsel vm12, $0x0, v16  }
0x8f: {  	s28 =	sadd.s32 $0x3490, s0;
	[tilespmem:v13+s25+$0xC0 ss:$0x1] =	vst.idx.msk $0xffff, v15  }
0x90: {  	s8 =	simm.s32 $0x680;
	s14 =	sadd.s32 $0x1A0, s13;
	s16 =	sadd.s32 $0x1A0, s6;
	v15 =	vld.idx.msk [tilespmem:v14+s28+$0x0 ss:$0x1], $0xffff  }
0x91: {  	s0 =	sadd.s32 $0x1A0, s30;
	s5 =	sadd.s32 $0x1A0, s5;
	s17 =	sadd.s32 $0x1A0, s9  }
0x92: {  	s26 =	sadd.s32 s4, s22;
	s7 =	simm.s32 $0x340;
	s6 =	sadd.s32 $0x1A0, s1  }
0x93: {  	s1 =	sadd.s32 $0x1A0, s10;
	s13 =	sadd.s32 $0x1A0, s29;
	s12 =	sadd.s32 $0x1A0, s12  }
0x94: {  	s29 =	sadd.s32 $0x1A0, s18;
	s30 =	sadd.s32 $0x1A0, s11;
	s31 =	sadd.s32 $0x1A0, s31  }
.LBB2_3:
0x95: {  	[tilespmem:v13+s25+$0x34C0 ss:$0x1] =	vst.idx.msk $0xffff, v15;
	s25 =	sshra.s32 s7, $0x2  }
0x96: {  	s28 =	sadd.s32 $0x1A0, s28;
	s7 =	smov.u32 s8;
	s9 =	sadd.s32 $0x340, s8  }
0x97: {  	p1 =	sne.s32 s8, $0xCCC0;
	v15 =	vld [tilespmem:s25+$0x90];
	_ =	sdelay $0x4  }
0x98: {  	v15 =	vnsel vm0, $0x0, v15  }
0x99: {  	[tilespmem:v13+s25+$0x0 ss:$0x1] =	vst.idx.msk $0xffff, v15  }
0x9a: {  	v15 =	vld.idx.msk [tilespmem:v14+s6+$0x0 ss:$0x1], $0xffff;
	_ =	sdelay $0x5  }
0x9b: {  	[tilespmem:v13+s25+$0x3400 ss:$0x1] =	vst.idx.msk $0xffff, v15  }
0x9c: {  	v15 =	vld [tilespmem:s25+$0xA0];
	_ =	sdelay $0x4  }
0x9d: {  	v15 =	vnsel vm1, $0x0, v15  }
0x9e: {  	[tilespmem:v13+s25+$0x10 ss:$0x1] =	vst.idx.msk $0xffff, v15  }
0x9f: {  	v15 =	vld.idx.msk [tilespmem:v14+s5+$0x0 ss:$0x1], $0xffff;
	_ =	sdelay $0x5  }
0xa0: {  	[tilespmem:v13+s25+$0x3410 ss:$0x1] =	vst.idx.msk $0xffff, v15  }
0xa1: {  	v15 =	vld [tilespmem:s25+$0xB0];
	_ =	sdelay $0x4  }
0xa2: {  	v15 =	vnsel vm2, $0x0, v15  }
0xa3: {  	[tilespmem:v13+s25+$0x20 ss:$0x1] =	vst.idx.msk $0xffff, v15  }
0xa4: {  	v15 =	vld.idx.msk [tilespmem:v14+s16+$0x0 ss:$0x1], $0xffff;
	_ =	sdelay $0x5  }
0xa5: {  	[tilespmem:v13+s25+$0x3420 ss:$0x1] =	vst.idx.msk $0xffff, v15  }
0xa6: {  	v15 =	vld [tilespmem:s25+$0xC0];
	_ =	sdelay $0x4  }
0xa7: {  	v15 =	vnsel vm3, $0x0, v15  }
0xa8: {  	[tilespmem:v13+s25+$0x30 ss:$0x1] =	vst.idx.msk $0xffff, v15  }
0xa9: {  	v15 =	vld.idx.msk [tilespmem:v14+s17+$0x0 ss:$0x1], $0xffff;
	_ =	sdelay $0x5  }
0xaa: {  	[tilespmem:v13+s25+$0x3430 ss:$0x1] =	vst.idx.msk $0xffff, v15  }
0xab: {  	v15 =	vld [tilespmem:s25+$0xD0];
	_ =	sdelay $0x4  }
0xac: {  	v15 =	vnsel vm4, $0x0, v15  }
0xad: {  	[tilespmem:v13+s25+$0x40 ss:$0x1] =	vst.idx.msk $0xffff, v15  }
0xae: {  	v15 =	vld.idx.msk [tilespmem:v14+s14+$0x0 ss:$0x1], $0xffff;
	_ =	sdelay $0x5  }
0xaf: {  	[tilespmem:v13+s25+$0x3440 ss:$0x1] =	vst.idx.msk $0xffff, v15  }
0xb0: {  	v15 =	vld [tilespmem:s25+$0xE0];
	_ =	sdelay $0x4  }
0xb1: {  	v15 =	vnsel vm5, $0x0, v15  }
0xb2: {  	[tilespmem:v13+s25+$0x50 ss:$0x1] =	vst.idx.msk $0xffff, v15  }
0xb3: {  	v15 =	vld.idx.msk [tilespmem:v14+s12+$0x0 ss:$0x1], $0xffff;
	_ =	sdelay $0x5  }
0xb4: {  	[tilespmem:v13+s25+$0x3450 ss:$0x1] =	vst.idx.msk $0xffff, v15  }
0xb5: {  	v15 =	vld [tilespmem:s25+$0xF0];
	_ =	sdelay $0x4  }
0xb6: {  	v15 =	vnsel vm6, $0x0, v15  }
0xb7: {  	[tilespmem:v13+s25+$0x60 ss:$0x1] =	vst.idx.msk $0xffff, v15  }
0xb8: {  	v15 =	vld.idx.msk [tilespmem:v14+s13+$0x0 ss:$0x1], $0xffff;
	_ =	sdelay $0x5  }
0xb9: {  	[tilespmem:v13+s25+$0x3460 ss:$0x1] =	vst.idx.msk $0xffff, v15  }
0xba: {  	v15 =	vld [tilespmem:s25+$0x100];
	_ =	sdelay $0x4  }
0xbb: {  	v15 =	vnsel vm7, $0x0, v15  }
0xbc: {  	[tilespmem:v13+s25+$0x70 ss:$0x1] =	vst.idx.msk $0xffff, v15  }
0xbd: {  	v15 =	vld.idx.msk [tilespmem:v14+s0+$0x0 ss:$0x1], $0xffff;
	_ =	sdelay $0x5  }
0xbe: {  	[tilespmem:v13+s25+$0x3470 ss:$0x1] =	vst.idx.msk $0xffff, v15  }
0xbf: {  	v15 =	vld [tilespmem:s25+$0x110];
	_ =	sdelay $0x4  }
0xc0: {  	v15 =	vnsel vm8, $0x0, v15  }
0xc1: {  	[tilespmem:v13+s25+$0x80 ss:$0x1] =	vst.idx.msk $0xffff, v15  }
0xc2: {  	v15 =	vld.idx.msk [tilespmem:v14+s31+$0x0 ss:$0x1], $0xffff;
	_ =	sdelay $0x5  }
0xc3: {  	[tilespmem:v13+s25+$0x3480 ss:$0x1] =	vst.idx.msk $0xffff, v15  }
0xc4: {  	v15 =	vld [tilespmem:s25+$0x120];
	_ =	sdelay $0x4  }
0xc5: {  	v15 =	vnsel vm9, $0x0, v15  }
0xc6: {  	[tilespmem:v13+s25+$0x90 ss:$0x1] =	vst.idx.msk $0xffff, v15  }
0xc7: {  	v15 =	vld.idx.msk [tilespmem:v14+s1+$0x0 ss:$0x1], $0xffff;
	_ =	sdelay $0x5  }
0xc8: {  	[tilespmem:v13+s25+$0x3490 ss:$0x1] =	vst.idx.msk $0xffff, v15  }
0xc9: {  	v15 =	vld [tilespmem:s25+$0x130];
	_ =	sdelay $0x4  }
0xca: {  	v15 =	vnsel vm10, $0x0, v15  }
0xcb: {  	[tilespmem:v13+s25+$0xA0 ss:$0x1] =	vst.idx.msk $0xffff, v15  }
0xcc: {  	v15 =	vld.idx.msk [tilespmem:v14+s30+$0x0 ss:$0x1], $0xffff;
	_ =	sdelay $0x5  }
0xcd: {  	[tilespmem:v13+s25+$0x34A0 ss:$0x1] =	vst.idx.msk $0xffff, v15  }
0xce: {  	v15 =	vld [tilespmem:s25+$0x140];
	_ =	sdelay $0x4  }
0xcf: {  	v15 =	vnsel vm11, $0x0, v15  }
0xd0: {  	[tilespmem:v13+s25+$0xB0 ss:$0x1] =	vst.idx.msk $0xffff, v15  }
0xd1: {  	v15 =	vld.idx.msk [tilespmem:v14+s29+$0x0 ss:$0x1], $0xffff;
	_ =	sdelay $0x5  }
0xd2: {  	[tilespmem:v13+s25+$0x34B0 ss:$0x1] =	vst.idx.msk $0xffff, v15  }
0xd3: {  	v15 =	vld [tilespmem:s25+$0x150];
	_ =	sdelay $0x4  }
0xd4: {  	v15 =	vnsel vm12, $0x0, v15  }
0xd5: {  	[tilespmem:v13+s25+$0xC0 ss:$0x1] =	vst.idx.msk $0xffff, v15  }
0xd6: {  	v15 =	vld.idx.msk [tilespmem:v14+s28+$0x0 ss:$0x1], $0xffff  }
.Ltmp0:
0xd7: {  	s8 =	smov.u32 s9;
	(pc) =	sbr.rel @p1 .LBB2_3-.Ltmp0, $4  }
0xd8: {  	s6 =	sadd.s32 $0x1A0, s6;
	s5 =	sadd.s32 $0x1A0, s5;
	s16 =	sadd.s32 $0x1A0, s16  }
0xd9: {  	s17 =	sadd.s32 $0x1A0, s17;
	s14 =	sadd.s32 $0x1A0, s14;
	s12 =	sadd.s32 $0x1A0, s12  }
0xda: {  	s13 =	sadd.s32 $0x1A0, s13;
	s0 =	sadd.s32 $0x1A0, s0;
	s31 =	sadd.s32 $0x1A0, s31  }
0xdb: {  	s1 =	sadd.s32 $0x1A0, s1;
	s30 =	sadd.s32 $0x1A0, s30;
	s29 =	sadd.s32 $0x1A0, s29  }
0xdc: {  	_ =	sdelay $0x3  }
0xdd: {  	s7 =	sshra.s32 s7, $0x2;
	[tilespmem:v13+s25+$0x34C0 ss:$0x1] =	vst.idx.msk $0xffff, v15  }
0xde: {  	v15 =	vld [tilespmem:s7+$0x90];
	_ =	sdelay $0x4  }
0xdf: {  	v15 =	vnsel vm0, $0x0, v15  }
0xe0: {  	[tilespmem:v13+s7+$0x0 ss:$0x1] =	vst.idx.msk $0xffff, v15  }
0xe1: {  	v15 =	vld.idx.msk [tilespmem:v14+s6+$0x0 ss:$0x1], $0xffff;
	_ =	sdelay $0x4  }
0xe2: {  	[tilespmem:v13+s7+$0x3400 ss:$0x1] =	vst.idx.msk $0xffff, v15  }
0xe3: {  	v15 =	vld [tilespmem:s7+$0xA0];
	_ =	sdelay $0x4  }
0xe4: {  	v15 =	vnsel vm1, $0x0, v15  }
0xe5: {  	[tilespmem:v13+s7+$0x10 ss:$0x1] =	vst.idx.msk $0xffff, v15  }
0xe6: {  	v15 =	vld.idx.msk [tilespmem:v14+s5+$0x0 ss:$0x1], $0xffff;
	_ =	sdelay $0x4  }
0xe7: {  	[tilespmem:v13+s7+$0x3410 ss:$0x1] =	vst.idx.msk $0xffff, v15  }
0xe8: {  	v15 =	vld [tilespmem:s7+$0xB0];
	_ =	sdelay $0x4  }
0xe9: {  	v15 =	vnsel vm2, $0x0, v15  }
0xea: {  	[tilespmem:v13+s7+$0x20 ss:$0x1] =	vst.idx.msk $0xffff, v15  }
0xeb: {  	v15 =	vld.idx.msk [tilespmem:v14+s16+$0x0 ss:$0x1], $0xffff;
	_ =	sdelay $0x4  }
0xec: {  	[tilespmem:v13+s7+$0x3420 ss:$0x1] =	vst.idx.msk $0xffff, v15  }
0xed: {  	v15 =	vld [tilespmem:s7+$0xC0];
	_ =	sdelay $0x4  }
0xee: {  	v15 =	vnsel vm3, $0x0, v15  }
0xef: {  	[tilespmem:v13+s7+$0x30 ss:$0x1] =	vst.idx.msk $0xffff, v15  }
0xf0: {  	v15 =	vld.idx.msk [tilespmem:v14+s17+$0x0 ss:$0x1], $0xffff;
	_ =	sdelay $0x4  }
0xf1: {  	[tilespmem:v13+s7+$0x3430 ss:$0x1] =	vst.idx.msk $0xffff, v15  }
0xf2: {  	v15 =	vld [tilespmem:s7+$0xD0];
	_ =	sdelay $0x4  }
0xf3: {  	v15 =	vnsel vm4, $0x0, v15  }
0xf4: {  	[tilespmem:v13+s7+$0x40 ss:$0x1] =	vst.idx.msk $0xffff, v15  }
0xf5: {  	v15 =	vld.idx.msk [tilespmem:v14+s14+$0x0 ss:$0x1], $0xffff;
	_ =	sdelay $0x4  }
0xf6: {  	[tilespmem:v13+s7+$0x3440 ss:$0x1] =	vst.idx.msk $0xffff, v15  }
0xf7: {  	v15 =	vld [tilespmem:s7+$0xE0];
	_ =	sdelay $0x4  }
0xf8: {  	v15 =	vnsel vm5, $0x0, v15  }
0xf9: {  	[tilespmem:v13+s7+$0x50 ss:$0x1] =	vst.idx.msk $0xffff, v15  }
0xfa: {  	v15 =	vld.idx.msk [tilespmem:v14+s12+$0x0 ss:$0x1], $0xffff;
	_ =	sdelay $0x4  }
0xfb: {  	[tilespmem:v13+s7+$0x3450 ss:$0x1] =	vst.idx.msk $0xffff, v15  }
0xfc: {  	v15 =	vld [tilespmem:s7+$0xF0];
	_ =	sdelay $0x4  }
0xfd: {  	v15 =	vnsel vm6, $0x0, v15  }
0xfe: {  	[tilespmem:v13+s7+$0x60 ss:$0x1] =	vst.idx.msk $0xffff, v15  }
0xff: {  	v15 =	vld.idx.msk [tilespmem:v14+s13+$0x0 ss:$0x1], $0xffff;
	_ =	sdelay $0x4  }
0x100: {  	[tilespmem:v13+s7+$0x3460 ss:$0x1] =	vst.idx.msk $0xffff, v15  }
0x101: {  	v15 =	vld [tilespmem:s7+$0x100];
	_ =	sdelay $0x4  }
0x102: {  	v15 =	vnsel vm7, $0x0, v15  }
0x103: {  	[tilespmem:v13+s7+$0x70 ss:$0x1] =	vst.idx.msk $0xffff, v15  }
0x104: {  	v15 =	vld.idx.msk [tilespmem:v14+s0+$0x0 ss:$0x1], $0xffff;
	_ =	sdelay $0x4  }
0x105: {  	[tilespmem:v13+s7+$0x3470 ss:$0x1] =	vst.idx.msk $0xffff, v15  }
0x106: {  	v15 =	vld [tilespmem:s7+$0x110];
	_ =	sdelay $0x4  }
0x107: {  	v15 =	vnsel vm8, $0x0, v15  }
0x108: {  	[tilespmem:v13+s7+$0x80 ss:$0x1] =	vst.idx.msk $0xffff, v15  }
0x109: {  	v15 =	vld.idx.msk [tilespmem:v14+s31+$0x0 ss:$0x1], $0xffff;
	_ =	sdelay $0x4  }
0x10a: {  	[tilespmem:v13+s7+$0x3480 ss:$0x1] =	vst.idx.msk $0xffff, v15  }
0x10b: {  	v15 =	vld [tilespmem:s7+$0x120];
	_ =	sdelay $0x4  }
0x10c: {  	v15 =	vnsel vm9, $0x0, v15  }
0x10d: {  	[tilespmem:v13+s7+$0x90 ss:$0x1] =	vst.idx.msk $0xffff, v15  }
0x10e: {  	v15 =	vld.idx.msk [tilespmem:v14+s1+$0x0 ss:$0x1], $0xffff;
	_ =	sdelay $0x4  }
0x10f: {  	[tilespmem:v13+s7+$0x3490 ss:$0x1] =	vst.idx.msk $0xffff, v15  }
0x110: {  	v15 =	vld [tilespmem:s7+$0x130];
	_ =	sdelay $0x4  }
0x111: {  	v15 =	vnsel vm10, $0x0, v15  }
0x112: {  	[tilespmem:v13+s7+$0xA0 ss:$0x1] =	vst.idx.msk $0xffff, v15  }
0x113: {  	v15 =	vld.idx.msk [tilespmem:v14+s30+$0x0 ss:$0x1], $0xffff;
	_ =	sdelay $0x4  }
0x114: {  	[tilespmem:v13+s7+$0x34A0 ss:$0x1] =	vst.idx.msk $0xffff, v15  }
0x115: {  	v15 =	vld [tilespmem:s7+$0x140];
	_ =	sdelay $0x4  }
0x116: {  	v15 =	vnsel vm11, $0x0, v15  }
0x117: {  	[tilespmem:v13+s7+$0xB0 ss:$0x1] =	vst.idx.msk $0xffff, v15  }
0x118: {  	v15 =	vld.idx.msk [tilespmem:v14+s29+$0x0 ss:$0x1], $0xffff;
	_ =	sdelay $0x4  }
0x119: {  	[tilespmem:v13+s7+$0x34B0 ss:$0x1] =	vst.idx.msk $0xffff, v15  }
0x11a: {  	v15 =	vld [tilespmem:s7+$0x150];
	_ =	sdelay $0x4  }
0x11b: {  	v15 =	vnsel vm12, $0x0, v15  }
0x11c: {  	s29 =	sadd.s32 $0x1A0, s28;
	[tilespmem:v13+s7+$0xC0 ss:$0x1] =	vst.idx.msk $0xffff, v15  }
0x11d: {  	s30 =	smul.u32 $0x9600, s26;
	v14 =	vld.idx.msk [tilespmem:v14+s29+$0x0 ss:$0x1], $0xffff;
	_ =	sdelay $0x1  }
0x11e: {  	s0 =	sshrl.u32 s30, $0x3  }
0x11f: {  	s31 =	sadd.s32 s2, s0  }
0x120: {  	s6 =	sadd.s32 $0xD0, s23;
	s1 =	sadd.s32 $0x640, s31  }
0x121: {  	s5 =	simm.s32 $0x19;
	s0 =	sor.u32 $0x2, s24;
	[tilespmem:v13+s7+$0x34C0 ss:$0x1] =	vst.idx.msk $0xffff, v14;
	s7 =	sadd.s32 $0x0, s1  }
.LBB2_5:
0x122: {  	[hbm4b:s7+s3] =	stream.linear.scatter [tilespmem:s23], [sflag:s0], $0xC8, $0x38;
	[tilespmem:$0x16C90] =	vst v63  }
0x123: {  	s7 =	smov.u32 s5;
	s23 =	smov.u32 s6;
	p1 =	sne.s32 s5, $0xC67  }
.Ltmp1:
0x124: {  	s5 =	sadd.s32 $0x19, s5;
	(pc) =	sbr.rel @p1 .LBB2_5-.Ltmp1, $2  }
0x125: {  	_ =	sdelay $0x2  }
0x126: {  	s6 =	sadd.s32 $0xD0, s6;
	s7 =	sadd.s32 s7, s1  }
0x127: {  	s22 =	sadd.s32 $0x1, s22  }
0x128: {  	p1 =	sne.s32 s22, $0x80  }
.Ltmp2:
0x129: {  	_ = 	snop;
	(pc) =	sbr.rel @p1 .LBB2_2-.Ltmp2, $3  }
0x12a: {  	_ =	sdelay $0x1  }
0x12b: {  	[hbm4b:s7+s3] =	stream.linear.scatter [tilespmem:s23], [sflag:s0], $0xC8, $0x38;
	[tilespmem:$0x16C90] =	vst v63  }
0x12c: {  	p0 =	por !p0, !p0  }
0x12d: {  	_ =	swait.ge [sflag:s19], $0x6400  }
0x12e: {  	[sflag:s19] =	ssyncset.done $0x0  }
0x12f: {  	[sflag:s19] =	ssyncadd.s32 $0xFFFF9C00  }
0x130: {  	_ =	swait.ge [sflag:s20], $0x6400  }
0x131: {  	[sflag:s20] =	ssyncset.done $0x0  }
0x132: {  	s1 =	simm.s32 $0x1;
	[sflag:s20] =	ssyncadd.s32 $0xFFFF9C00  }
0x133: {  	_ =	swait.ge [sflag:s1], $0x32000  }
0x134: {  	s21 =	sadd.s32 $0x1, s21;
	s0 =	rddreg [dreg:$0xa]  }
0x135: {  	p0 =	sne.s32 s21, s0  }
.Ltmp3:
0x136: {  	_ = 	snop;
	(pc) =	sbr.rel @p0 .LBB2_1-.Ltmp3, $3  }
0x137: {  	_ =	sdelay $0x1  }
0x138: {  	[sflag:s1] =	ssyncset.done $0x0  }
0x139: {  	[sflag:s1] =	ssyncadd.s32 $0xFFFCE000  }
0x13a: {  	_ =	sfence.sel $0x180000  }
0x13b: {  	[bflag:$0x0] =	sbarrier.arrive $0xFFFF  }
0x13c: {  	_ =	strace $0x90000047  }
0x13d: {  	s0 =	stileid.u32;
	[bflag:$0x2] =	sbarrier.arrive $0xFFFF  }
0x13e: {  	p0 =	sne.s32 s0, $0x0;
	s0 =	rddreg [dreg:$0x3]  }
0x13f: {  	s0 =	sadd.s32 @!p0 $0x100000, s0  }
0x140: {  	[sflag:s0] =	ssyncadd.tile.s32 @!p0 $0x1;
	_ =	shalt  }
.Lfunc_end2:
_tile_overlayer_lowered:
.L_overlay_start_2:
0x141: {  	(tag) =	ssettag $0x2  }
0x142: {  	s0 =	rddreg [dreg:$0x0];
	s2 =	stileid.u32  }
0x143: {  	s1 =	rddreg [dreg:$0x1];
	p0 =	sne.s32 s2, $0x0  }
0x144: {  	s3 =	rddreg [dreg:$0x2];
	[bflag:$0x3] =	sbarrier.arrive $0xFFFF;
	s2 =	simm.s32 @!p0 $0x1C04  }
0x145: {  	[timem:s3], [sflag:s2] =	dma.local @!p0 [hbm:s0], s1  }
0x146: {  	s0 =	simm.s32 @!p0 $0x4  }
0x147: {  	_ =	swait.ge @!p0 [sflag:s0], s1  }
0x148: {  	s1 =	ssub.s32 @!p0 $0x0, s1;
	[sflag:s0] =	ssyncset.done @!p0 $0x0  }
0x149: {  	[sflag:s0] =	ssyncadd.s32 @!p0 s1  }
0x14a: {  	[bflag:$0x3] =	sbarrier.arrive $0xFFFF  }
0x14b: {  	_ =	shalt  }

// kernel: sparse-core-data-format-call.cloned.1.call-start
scs
called_computation_lowered:
.L_overlay_start_0:
0x0: {  	s2 =	sld [smem:$0x3FD9]  }
0x1: {  	s3 =	sld [smem:$0x3FFE];
	_ =	sdelay $0x1  }
0x2: {  	s1 =	srdreg.scid  }
0x3: {  	s0 =	sand.u32 $0x1, s1  }
0x4: {  	s18 =	sshll.u32 s0, $0xA;
	s2 =	sadd.s32 s3, s2  }
0x5: {  	s2 =	sadd.s32 s2, s18  }
0x6: {  	[smem:$0x3FC5] =	sst s2  }
0x7: {  	_ = 	snop  }
0x8: {  	s2 =	sld [smem:$0x3FD0];
	(tm) =	ssettm $0x1  }
0x9: {  	s19 =	sld [smem:$0x3FFB];
	_ =	sdelay $0x3  }
0xa: {  	_ =	strace s19  }
0xb: {  	s3 =	sld [smem:$0x3FFC];
	_ =	sdelay $0x3  }
0xc: {  	_ =	strace s3  }
0xd: {  	s3 =	sld [smem:$0x3FFD];
	_ =	sdelay $0x3  }
0xe: {  	_ =	strace s3  }
0xf: {  	_ =	strace $0x8FFFFFFF  }
0x10: {  	s20 =	sld [smem:$0x3FDB];
	_ =	sdelay $0x1  }
0x11: {  	s4 =	simm.s32 $_scs_section_size  }
0x12: {  	s5 =	simm.s32 $_size__tile_overlayer_lowered;
	s6 =	simm.s32 $_tile_overlayer_lowered  }
0x13: {  	s23 =	simm.s32 $0x1BFF;
	s22 =	sshll.u32 s6, $0x1;
	s3 =	sadd.s32 s4, s20  }
0x14: {  	s7 =	simm.s32 $0x0;
	s21 =	sshll.u32 s5, $0x1;
	s5 =	sadd.s32 s22, s3  }
0x15: {  	[timem:s7], [sflag:s23] =	dma.local [hbm:s5], s21  }
0x16: {  	_ =	swait.ge [sflag:s23], s21  }
0x17: {  	s4 =	ssub.s32 $0x0, s21;
	[sflag:s23] =	ssyncset.done $0x0  }
0x18: {  	[sflag:s23] =	ssyncadd.s32 s4;
	_ =	sdelay $0x1  }
0x19: {  	s24 =	simm.s32 $0x1B8B  }
0x1a: {  	_ =	swait.ge [sflag:s24], $0x1  }
0x1b: {  	[sflag:s24] =	ssyncset.done $0x0  }
0x1c: {  	s26 =	simm.s32 $0x1B8E;
	s25 =	sld [smem:$0x3FFE];
	[sflag:s24] =	ssyncadd.s32 $0xFFFFFFFF  }
0x1d: {  	s27 =	simm.s32 $execute0_lowered;
	[smem:$0x3FD2] =	sst s26  }
0x1e: {  	s5 =	sshll.u32 s27, $0x1;
	_ =	strace $0x80000049;
	[dreg:$0x1] =	wrdreg $0xFFFFFFFF  }
0x1f: {  	s28 =	simm.s32 $_size_execute0_lowered;
	s3 =	sadd.s32 s3, s5;
	[dreg:$0x0] =	wrdreg $0x0  }
0x20: {  	s5 =	sshll.u32 s28, $0x1;
	[dreg:$0x2] =	wrdreg s3  }
0x21: {  	[dreg:$0x3] =	wrdreg s5  }
0x22: {  	[dreg:$0x4] =	wrdreg $0xC0  }
0x23: {  	_ =	task [dreg:s7], $0x5FFFF  }
0x24: {  	[dreg:$0x1] =	wrdreg $0xFFFFFFFF  }
0x25: {  	[dreg:$0x0] =	wrdreg $0x60  }
0x26: {  	[dreg:$0x2] =	wrdreg s25  }
0x27: {  	[dreg:$0x3] =	wrdreg s2  }
0x28: {  	[dreg:$0x4] =	wrdreg $0x9  }
0x29: {  	_ =	task.clear_ibuf [dreg:s7], $0x5FFFF;
	_ =	strace $0x90000049  }
0x2a: {  	s29 =	simm.s32 $0x9;
	_ =	strace $0x8000004B  }
0x2b: {  	_ =	swait.ge [sflag:s29], $0x1  }
0x2c: {  	[sflag:s29] =	ssyncadd.s32 $0xFFFFFFFF  }
0x2d: {  	_ =	strace $0x9000004B  }
0x2e: {  	_ =	sfence  }
0x2f: {  	s30 =	sld [smem:$0x0];
	_ =	sdelay $0x2  }
0x30: {  	s31 =	sshll.u32 s1, $0xD;
	s1 =	sshrl.u32 s1, $0x2  }
0x31: {  	s3 =	sand.u32 $0x4000, s31;
	s1 =	sadd.s32 s1, s30  }
0x32: {  	s0 =	sor.u32 s3, s0;
	s1 =	sshll.u32 s1, $0x11  }
0x33: {  	s0 =	sor.u32 s1, s0  }
0x34: {  	s0 =	sadd.s32 $0x8F2B, s0  }
0x35: {  	[sflag:s0] =	ssyncadd.remote.s32 $0x1  }
0x36: {  	_ =	sfence.sel $0xFFFF  }
0x37: {  	[dreg:$0x0] =	wrdreg $0xFFFFFFFF;
	(pc) =	sbr.abs _section_cstart, $3  }
0x38: {  	[dreg:$0x1] =	wrdreg $0xFFFFFFFF  }
0x39: {  	_ =	task.clear_ibuf [dreg:s7], $0x2FFFF;
	_ =	strace $0x9FFFFFFF  }
0x3a: {  	(tm) =	ssettm $0x7FFFFFFF  }
0x3b: {  	_ =	shalt  }
tec
execute0_lowered:
.L_overlay_start_1:
0x0: {  	(tag) =	ssettag $0x1  }
0x1: {  	s0 =	srdreg.scid;
	s6 =	rddreg [dreg:$0x0]  }
0x2: {  	s3 =	rddreg [dreg:$0x1];
	s1 =	sshll.u32 s0, $0x4  }
0x3: {  	s5 =	simm.s32 $0x1;
	s0 =	stileid.u32;
	s1 =	sand.u32 $0x10, s1  }
0x4: {  	s31 =	simm.s32 $0x2;
	s16 =	simm.s32 $0x0;
	s1 =	sor.u32 s0, s1  }
0x5: {  	s8 =	simm.s32 $0x8000;
	s18 =	simm.s32 $0x0;
	s2 =	sshll.u32 s1, $0x7  }
0x6: {  	s17 =	simm.s32 $0x0;
	s9 =	simm.s32 $0x0;
	s4 =	ssub.s32 $0x1000, s2  }
0x7: {  	s10 =	simm.s32 $0x0;
	s11 =	simm.s32 $0x0;
	s30 =	sand.u32 $0xF80, s4  }
0x8: {  	s12 =	simm.s32 $0x0;
	s13 =	simm.s32 $0x0;
	p0 =	sne.s32 s30, $0x0  }
.Ltmp0:
0x9: {  	s7 =	sshrl.u32 s4, $0xC;
	s5 =	simm.s32 @!p0 $0x0;
	(pc) =	sbr.rel .LBB1_1-.Ltmp0, $4  }
0xa: {  	s15 =	simm.s32 $0x0;
	s1 =	rddreg [dreg:$0x2];
	s5 =	sadd.s32 s5, s7  }
0xb: {  	_ =	strace $0x8000004A;
	s4 =	simm.s32 $0x1;
	s5 =	smul.u32 $0x180, s5  }
0xc: {  	s6 =	sadd.s32 $0x800, s6;
	s14 =	smov.u32 s2;
	[sflag:s4] =	ssyncpa.u1 $0x0  }
0xd: {  	[sflag:s31] =	ssyncpa.u1 $0x0;
	p0 =	por $0x0, $0x0;
	s7 =	sor.u32 $0x1, s5  }
.LBB1_4:
0xe: {  	s23 =	sshra.s32 s23, $0x2;
	s30 =	sshll.u32 s9, $0xC  }
0xf: {  	p1 =	sgt.s32 s10, $0xBF;
	s24 =	smov.u32 s10;
	s25 =	sshra.s32 s10, $0x1F  }
0x10: {  	s26 =	sshll.u32 s11, $0x3;
	s28 =	smov.u32 s11;
	s29 =	sshra.s32 s11, $0x1F  }
0x11: {  	s22 =	sadd.s32 s23, s22;
	s24 =	simm.s32 @!p1 $0xBF;
	s25 =	sand.u32 s25, s10  }
0x12: {  	s23 =	sand.u32 $0xFFFF8000, s30;
	s27 =	sand.u32 $0xFFFFFC00, s26;
	p1 =	sgt.s32 s9, $0x48  }
0x13: {  	s31 =	sand.u32 s29, s11;
	s29 =	sshll.u32 s9, $0x7;
	s30 =	sshra.s32 s9, $0x1F  }
0x14: {  	[tilespmem:s21+$0x2040 ss:$0x81] =	vst.msk $0xffff, v4;
	s24 =	ssub.s32 s24, s25;
	s23 =	sadd.s32 s27, s23;
	s27 =	smov.u32 s9  }
0x15: {  	[tilespmem:s21+$0x2850 ss:$0x81] =	vst.msk $0xffff, v3;
	s29 =	sand.u32 $0x380, s29;
	s25 =	sadd.s32 $0xFFFFFF41, s24;
	s27 =	simm.s32 @!p1 $0x48  }
0x16: {  	v5 =	vld [tilespmem:s20+$0xFFFFFFD0];
	[tilespmem:s21+$0x3060 ss:$0x81] =	vst.msk $0xffff, v2;
	p1 =	sgt.s32 s11, $0xF80;
	s23 =	sshrl.u32 s23, $0xC;
	s24 =	ssub.s32 $0xC0, s24  }
0x17: {  	v58 =	vld [tilespmem:s20+$0xFFFFFFE0];
	[tilespmem:s21+$0x0 ss:$0x81] =	vst.msk $0xffff, v1;
	s28 =	simm.s32 @!p1 $0xF80;
	p1 =	sgt.s32 s25, $0x0;
	s21 =	smulhi.u32 $0x147AE15, s23  }
0x18: {  	v59 =	vld [tilespmem:s20+$0xFFFFFFF0];
	s25 =	ssub.s32 s28, s31;
	s28 =	sand.u32 s30, s9;
	s24 =	simm.s32 @p1 $0x0  }
0x19: {  	v60 =	vld [tilespmem:s20+$0x0];
	s27 =	ssub.s32 s27, s28;
	s31 =	sadd.s32 $0xFFFFF080, s25;
	s25 =	ssub.s32 $0x1000, s25  }
0x1a: {  	v61 =	vld [tilespmem:s20+$0x10];
	[tilespmem:s22+$0x3870 ss:$0x81] =	vst.msk $0xffff, v0;
	s21 =	smul.u32 $0xC8, s21;
	s28 =	sand.u32 $0x7, s11;
	p1 =	sgt.s32 s31, $0x7F  }
0x1b: {  	v62 =	vld [tilespmem:s20+$0x20];
	[tilespmem:s22+$0x810 ss:$0x81] =	vst.msk $0xffff, v5;
	s30 =	sadd.s32 $0xFFFFFFB8, s27;
	s31 =	sand.u32 $0x78, s11;
	s25 =	simm.s32 @p1 $0x0  }
0x1c: {  	v63 =	vld [tilespmem:s20+$0xFFFFFFC0];
	[tilespmem:s22+$0x1020 ss:$0x81] =	vst.msk $0xffff, v58;
	p1 =	sgt.s32 s30, $0x7F;
	s30 =	sand.u32 $0xC00, s26;
	s24 =	smul.u32 s25, s24  }
0x1d: {  	[tilespmem:s22+$0x1830 ss:$0x81] =	vst.msk $0xffff, v59;
	s26 =	ssub.s32 $0xC8, s27;
	s20 =	sor.u32 s31, s30;
	s31 =	smul.u32 $0x19000, s10  }
0x1e: {  	[tilespmem:s22+$0x2040 ss:$0x81] =	vst.msk $0xffff, v60;
	s21 =	ssub.s32 s23, s21;
	s26 =	simm.s32 @p1 $0x0;
	s20 =	sor.u32 s29, s20  }
0x1f: {  	[tilespmem:s22+$0x2850 ss:$0x81] =	vst.msk $0xffff, v61;
	s26 =	smul.u32 s26, s24;
	s20 =	sshrl.u32 s20, $0x3;
	s27 =	sadd.s32 s3, s31  }
0x20: {  	[tilespmem:s22+$0x3060 ss:$0x81] =	vst.msk $0xffff, v62;
	s21 =	sshll.u32 s21, $0x9;
	s29 =	sshll.u32 s28, $0x12;
	s20 =	sadd.s32 s20, s27  }
0x21: {  	[tilespmem:s22+$0x0 ss:$0x81] =	vst.msk $0xffff, v63;
	s31 =	sor.u32 $0x400, s29;
	s30 =	sand.u32 $0x3FFFFFFF, s26;
	s20 =	sadd.s32 s21, s20  }
0x22: {  	[hbm4b:s20+s31] =	stream.strided.scatter [tilespmem:s19], [sflag:$0x2], s30, s8, s31, $0x20;
	[tilespmem:$0x10100] =	vst v63  }
.LBB1_5:
0x23: {  	p1 =	slt.u32 s15, $0x2  }
0x24: {  	p2 =	sgt.s32 @!p1 s18, $0xBF  }
0x25: {  	s19 =	smov.u32 s18;
	s20 =	sshra.s32 @!p1 s18, $0x1F;
	p2 =	por !p2, p1  }
0x26: {  	s18 =	sand.u32 @!p1 s20, s18;
	s19 =	simm.s32 @p2 $0xBF  }
0x27: {  	p3 =	sgt.s32 @!p1 s16, $0x48;
	s18 =	ssub.s32 @!p1 s19, s18  }
0x28: {  	p4 =	sgt.s32 @!p1 s17, $0xF80;
	s21 =	sshra.s32 @!p1 s17, $0x1F;
	s19 =	sadd.s32 @!p1 $0xFFFFFF41, s18  }
0x29: {  	s20 =	smov.u32 s16;
	p2 =	sgt.s32 @!p1 s19, $0x0;
	s19 =	sshra.s32 @!p1 s16, $0x1F  }
0x2a: {  	p4 =	por !p4, p1;
	s16 =	sand.u32 @!p1 s19, s16;
	s19 =	smov.u32 s17  }
0x2b: {  	p3 =	por !p3, p1;
	s17 =	sand.u32 @!p1 s21, s17;
	s19 =	simm.s32 @p4 $0xF80  }
0x2c: {  	s20 =	simm.s32 @p3 $0x48;
	s18 =	ssub.s32 @!p1 $0xC0, s18;
	s17 =	ssub.s32 @!p1 s19, s17  }
0x2d: {  	p2 =	por !p2, p1;
	s16 =	ssub.s32 @!p1 s20, s16;
	s20 =	sadd.s32 @!p1 $0xFFFFF080, s17  }
0x2e: {  	s18 =	simm.s32 @!p2 $0x0;
	p3 =	sgt.s32 @!p1 s20, $0x7F  }
0x2f: {  	s19 =	sadd.s32 @!p1 $0xFFFFFFB8, s16;
	s17 =	ssub.s32 @!p1 $0x1000, s17;
	p3 =	por !p3, p1  }
0x30: {  	p2 =	sgt.s32 @!p1 s19, $0x7F;
	s19 =	sadd.s32 $0x80, s12;
	s17 =	simm.s32 @!p3 $0x0  }
0x31: {  	p3 =	sgt.s32 s19, $0xC7;
	s17 =	smul.u32 @!p1 s17, s18;
	s18 =	simm.s32 $0x1  }
0x32: {  	s16 =	ssub.s32 @!p1 $0xC8, s16;
	p2 =	por !p2, p1;
	s18 =	simm.s32 @!p3 $0x0  }
0x33: {  	s21 =	smov.u32 s14;
	s16 =	simm.s32 @!p2 $0x0;
	s20 =	sadd.s32 s18, s13  }
0x34: {  	s16 =	smul.u32 @!p1 s16, s17;
	s17 =	sadd.s32 $0x1000, s14;
	p2 =	sgt.s32 s20, $0xBF  }
0x35: {  	p0 =	por !p0, !p0;
	s22 =	simm.s32 @!p1 $0x2;
	s21 =	smov.u32 @p2 s17  }
0x36: {  	s19 =	simm.s32 @p3 $0x0;
	s20 =	simm.s32 @p2 $0x0;
	p2 =	sgt.s32 s21, $0xFFF  }
0x37: {  	s18 =	smov.u32 s10;
	s21 =	smov.u32 @p2 s2;
	p2 =	sne.s32 s15, s7  }
.Ltmp1:
0x38: {  	s10 =	smov.u32 s13;
	s16 =	sand.u32 @!p1 $0x3FFFFFFF, s16;
	(pc) =	sbr.rel @!p2 .LBB1_6-.Ltmp1, $4  }
0x39: {  	s17 =	smov.u32 s11;
	s11 =	smov.u32 s14;
	_ =	swait.ge @!p1 [sflag:s22], s16  }
0x3a: {  	s23 =	ssub.s32 @!p1 $0x0, s16;
	s16 =	smov.u32 s9;
	s9 =	smov.u32 s12  }
0x3b: {  	s12 =	smov.u32 s19;
	s13 =	smov.u32 s20;
	[sflag:s22] =	ssyncset.done @!p1 $0x0  }
0x3c: {  	s15 =	sadd.s32 $0x1, s15;
	[sflag:s22] =	ssyncadd.s32 @!p1 s23;
	s14 =	smov.u32 s21  }
.LBB1_1:
0x3d: {  	p1 =	sge.u32 s15, s5  }
0x3e: {  	s19 =	sshll.u32 @!p1 s13, $0x8;
	s20 =	sshll.u32 @!p1 s12, $0x3  }
0x3f: {  	s21 =	sshll.u32 @!p1 s13, $0x7;
	s19 =	sand.u32 @!p1 $0xFFFFF800, s19;
	s20 =	sand.u32 @!p1 $0xFFFFFC00, s20  }
0x40: {  	s19 =	sadd.s32 @!p1 s19, s20;
	s20 =	sand.u32 @!p1 $0x300, s21  }
0x41: {  	s19 =	sor.u32 @!p1 s20, s19  }
0x42: {  	s19 =	sshrl.u32 @!p1 s19, $0x8  }
0x43: {  	s31 =	sadd.s32 $0xFFFFFFFF, s15;
	s20 =	smulhi.u32 @!p1 $0x1555556, s19  }
0x44: {  	s22 =	sxor.u32 @!p1 $0xFFFFFFFF, s15;
	s23 =	sand.u32 @!p1 $0x78, s12;
	s24 =	smul.u32 @!p1 $0x1800, s14  }
0x45: {  	s22 =	sshll.u32 @!p1 s22, $0xE;
	s21 =	sand.u32 @!p1 $0x80, s21;
	s20 =	smul.u32 @!p1 $0xC0, s20  }
0x46: {  	s22 =	sand.u32 @!p1 $0x4000, s22;
	s21 =	sor.u32 @!p1 s23, s21;
	s23 =	sand.u32 @!p1 $0x7, s12  }
0x47: {  	s19 =	ssub.s32 @!p1 s19, s20;
	s20 =	sshrl.u32 @!p1 s21, $0x3;
	s21 =	sadd.s32 @!p1 s6, s24  }
0x48: {  	s19 =	sshll.u32 @!p1 s19, $0x5;
	s20 =	sadd.s32 @!p1 s20, s21;
	s21 =	sshll.u32 @!p1 s23, $0x12  }
0x49: {  	s19 =	sadd.s32 @!p1 s19, s20;
	s20 =	sor.u32 @!p1 $0x80, s21;
	s21 =	simm.s32 @!p1 $0xC000  }
0x4a: {  	[tilespmem:s22], [sflag:$0x1] =	stream.strided.gather @!p1 [hbm4b:s19+s20], $0x4000, s21, s20, $0x38;
	[tilespmem:$0x10100] =	vst v63  }
0x4b: {  	p1 =	sge.u32 s31, s5  }
.Ltmp2:
0x4c: {  	_ = 	snop;
	(pc) =	sbr.rel @p1 .LBB1_5-.Ltmp2, $1  }
0x4d: {  	_ =	sdelay $0x3  }
0x4e: {  	s19 =	simm.s32 $0x1  }
0x4f: {  	_ =	swait.ge [sflag:s4], $0x4000;
	s19 =	simm.s32 @!p0 $0x0  }
0x50: {  	[sflag:s4] =	ssyncset.done $0x0;
	s20 =	sshll.u32 s19, $0xE  }
0x51: {  	[sflag:s4] =	ssyncadd.s32 $0xFFFFC000;
	s20 =	sor.u32 $0x40, s20  }
0x52: {  	s19 =	smul.u32 $0x10200, s19;
	v0 =	vld [tilespmem:s20+$0x30]  }
0x53: {  	v1 =	vld [tilespmem:s20+$0xFFFFFFD0]  }
0x54: {  	s19 =	sshrl.u32 s19, $0x2;
	v5 =	vld [tilespmem:s20+$0xFFFFFFE0]  }
0x55: {  	v6 =	vld [tilespmem:s20+$0xFFFFFFF0];
	s22 =	sor.u32 $0x8000, s19  }
0x56: {  	s31 =	sand.u32 $0x1, s15;
	v4 =	vld [tilespmem:s20+$0x0];
	s21 =	sadd.s32 $0x0, s22  }
0x57: {  	v3 =	vld [tilespmem:s20+$0x10];
	s19 =	smul.u32 $0x10200, s31;
	[tilespmem:s21+$0x3870 ss:$0x81] =	vst.msk $0xffff, v0  }
0x58: {  	v2 =	vld [tilespmem:s20+$0x20];
	[tilespmem:s21+$0x810 ss:$0x81] =	vst.msk $0xffff, v1  }
0x59: {  	s19 =	sshrl.u32 s19, $0x2;
	v1 =	vld [tilespmem:s20+$0xFFFFFFC0];
	[tilespmem:s21+$0x1020 ss:$0x81] =	vst.msk $0xffff, v5;
	s20 =	sadd.s32 $0x80, s20  }
0x5a: {  	s23 =	simm.s32 $0x4;
	s24 =	simm.s32 $0x8;
	s19 =	sor.u32 $0x8000, s19;
	[tilespmem:s21+$0x1830 ss:$0x81] =	vst.msk $0xffff, v6;
	v0 =	vld [tilespmem:s20+$0x30]  }
.LBB1_3:
0x5b: {  	p1 =	sne.s32 s24, $0x1FC;
	v5 =	vld [tilespmem:s20+$0xFFFFFFD0];
	[tilespmem:s21+$0x2040 ss:$0x81] =	vst.msk $0xffff, v4  }
0x5c: {  	v6 =	vld [tilespmem:s20+$0xFFFFFFE0];
	[tilespmem:s21+$0x2850 ss:$0x81] =	vst.msk $0xffff, v3  }
0x5d: {  	s25 =	sshra.s32 s23, $0x2;
	s23 =	smov.u32 s24;
	v7 =	vld [tilespmem:s20+$0xFFFFFFF0];
	[tilespmem:s21+$0x3060 ss:$0x81] =	vst.msk $0xffff, v2  }
.Ltmp3:
0x5e: {  	v4 =	vld [tilespmem:s20+$0x0];
	[tilespmem:s21+$0x0 ss:$0x81] =	vst.msk $0xffff, v1;
	s21 =	sadd.s32 s25, s22;
	(pc) =	sbr.rel @p1 .LBB1_3-.Ltmp3, $4  }
0x5f: {  	v3 =	vld [tilespmem:s20+$0x10];
	[tilespmem:s21+$0x3870 ss:$0x81] =	vst.msk $0xffff, v0  }
0x60: {  	[tilespmem:s21+$0x810 ss:$0x81] =	vst.msk $0xffff, v5;
	v2 =	vld [tilespmem:s20+$0x20]  }
0x61: {  	v1 =	vld [tilespmem:s20+$0xFFFFFFC0];
	[tilespmem:s21+$0x1020 ss:$0x81] =	vst.msk $0xffff, v6;
	s20 =	sadd.s32 $0x80, s20  }
0x62: {  	s24 =	sadd.s32 $0x4, s24;
	v0 =	vld [tilespmem:s20+$0x30];
	[tilespmem:s21+$0x1830 ss:$0x81] =	vst.msk $0xffff, v7  }
.Ltmp4:
0x63: {  	_ = 	snop;
	(pc) =	sbr.rel .LBB1_4-.Ltmp4, $1  }
0x64: {  	_ =	sdelay $0x3  }
.LBB1_6:
0x65: {  	_ =	sfence.sel $0x180000  }
0x66: {  	s2 =	simm.s32 $0x1;
	[bflag:$0x0] =	sbarrier.arrive $0xFFFF  }
0x67: {  	s31 =	simm.s32 $0x2;
	[sflag:s2] =	ssyncpa.u1 $0x1  }
0x68: {  	[sflag:s31] =	ssyncpa.u1 $0x1  }
0x69: {  	p0 =	sne.s32 s0, $0x0;
	_ =	strace $0x9000004A  }
0x6a: {  	s0 =	sadd.s32 @!p0 $0x100000, s1;
	[bflag:$0x2] =	sbarrier.arrive $0xFFFF  }
0x6b: {  	[sflag:s0] =	ssyncadd.tile.s32 @!p0 $0x1;
	_ =	shalt  }
.Lfunc_end1:
_tile_overlayer_lowered:
.L_overlay_start_2:
0x6c: {  	(tag) =	ssettag $0x2  }
0x6d: {  	s0 =	rddreg [dreg:$0x0];
	s2 =	stileid.u32  }
0x6e: {  	s1 =	rddreg [dreg:$0x1];
	p0 =	sne.s32 s2, $0x0  }
0x6f: {  	s3 =	rddreg [dreg:$0x2];
	[bflag:$0x3] =	sbarrier.arrive $0xFFFF;
	s2 =	simm.s32 @!p0 $0x1C01  }
0x70: {  	[timem:s3], [sflag:s2] =	dma.local @!p0 [hbm:s0], s1  }
0x71: {  	s0 =	simm.s32 @!p0 $0x1  }
0x72: {  	_ =	swait.ge @!p0 [sflag:s0], s1  }
0x73: {  	s1 =	ssub.s32 @!p0 $0x0, s1;
	[sflag:s0] =	ssyncset.done @!p0 $0x0  }
0x74: {  	[sflag:s0] =	ssyncadd.s32 @!p0 s1  }
0x75: {  	[bflag:$0x3] =	sbarrier.arrive $0xFFFF  }
0x76: {  	_ =	shalt  }

</sc_bundles>
